<compile_context>
chip_gen: v7x
topology: tpu7x:2x2x1
jax: 0.10.2.dev20260603
libtpu: 0.0.44.dev20260713+nightly
codegen_flags: <defaults>
</compile_context>

<pallas_src>
import functools

import jax
import jax.numpy as jnp
from jax import lax
from jax.experimental import pallas as pl
from jax.experimental.pallas import tpu as pltpu
from jax.experimental.pallas import tpu_sc as plsc

_TOTAL = 1048576
_NRAYS = 8192
_L = 16
_S = 4096


@functools.cache
def _build(nc: int, ns: int):
    nw = nc * ns
    rpw = _NRAYS // nw
    mesh = plsc.VectorSubcoreMesh(
        core_axis_name="c", subcore_axis_name="s",
        num_cores=nc, num_subcores=ns)

    def body(sig_hbm, rgb_hbm, del_hbm, cu_hbm, near_hbm, far_hbm,
             img_out, dep_out, ws_out,
             cu_v, near_v, far_v, sig_sl, del_sl, rgb_sl,
             img_st, dep_st, ws_st, dma_sem):
        w = lax.axis_index("s") * nc + lax.axis_index("c")
        r0 = pl.multiple_of(w * rpw, 8)
        pltpu.sync_copy(cu_hbm.at[pl.ds(r0, rpw + 24)], cu_v)
        pltpu.sync_copy(near_hbm.at[pl.ds(r0, rpw)], near_v.at[pl.ds(0, rpw)])
        pltpu.sync_copy(far_hbm.at[pl.ds(r0, rpw)], far_v.at[pl.ds(0, rpw)])

        iota = lax.iota(jnp.int32, _L)
        zeros_i = jnp.zeros((_L,), jnp.int32)
        ones_i = zeros_i + 1
        twos_i = zeros_i + 2
        zf = jnp.zeros((_L,), jnp.float32)
        lane0 = iota == 0
        first3 = iota < 3

        my_end = cu_v[pl.ds(rpw, _L)][0]

        def issue_slab(sn):
            hb = pl.multiple_of(lax.rem(sn, 2) * _S, 8)
            sb = pl.multiple_of(sn * _S, _S)
            sb2 = pl.multiple_of(sn * (2 * _S), 8)
            sb3 = pl.multiple_of(sn * (3 * _S), 8)
            h1 = pltpu.make_async_copy(sig_hbm.at[pl.ds(sb, _S)],
                                       sig_sl.at[pl.ds(hb, _S)], dma_sem)
            h2 = pltpu.make_async_copy(del_hbm.at[pl.ds(sb2, 2 * _S)],
                                       del_sl.at[pl.ds(2 * hb, 2 * _S)],
                                       dma_sem)
            h3 = pltpu.make_async_copy(rgb_hbm.at[pl.ds(sb3, 3 * _S)],
                                       rgb_sl.at[pl.ds(3 * hb, 3 * _S)],
                                       dma_sem)
            return h1, h2, h3

        def ray_body(r, cur_slab):
            se = cu_v[pl.ds(r, _L)]
            start = se[0]
            end = se[1]
            start_al = lax.div(start, _L) * _L
            ntrips = lax.div(end - start_al + (_L - 1), _L)

            def chunk(j, st):
                c, a0, a1, a2, a3, a4, cur = st
                gp = start_al + j * _L
                sn = lax.div(gp, _S)
                need = sn != cur

                @pl.when(need & (cur < 0))
                def _cold_load():
                    h1, h2, h3 = issue_slab(sn)
                    h1.start()
                    h2.start()
                    h3.start()

                @pl.when(need)
                def _drain_and_prefetch():
                    h1, h2, h3 = issue_slab(sn)
                    h1.wait()
                    h2.wait()
                    h3.wait()

                    @pl.when((sn + 1) * _S < my_end)
                    def _prefetch_next():
                        n1, n2, n3 = issue_slab(sn + 1)
                        n1.start()
                        n2.start()
                        n3.start()

                cur = jnp.where(need, sn, cur)
                gidx = gp + iota
                valid = (gidx >= start) & (gidx < end)
                o = gp - sn * _S + lax.rem(sn, 2) * _S
                idxc = o + iota
                sigv = sig_sl[pl.ds(o, _L)]
                idx2 = idxc * 2
                idx3 = idxc * 3
                dtv = plsc.load_gather(del_sl, [idx2])
                tv = plsc.load_gather(del_sl, [idx2 + 1])
                l = jnp.where(valid, -sigv * dtv, 0.0)
                alc = jnp.exp(l)
                svec = plsc.cumsum(l)
                tr = jnp.exp(c + svec - l)
                wgt = jnp.where(valid, (1.0 - alc) * tr, 0.0)
                c = c + svec[15]
                rv = plsc.load_gather(rgb_sl, [idx3])
                gv = plsc.load_gather(rgb_sl, [idx3 + 1])
                bv = plsc.load_gather(rgb_sl, [idx3 + 2])
                a0 = a0 + wgt
                a1 = a1 + wgt * tv
                a2 = a2 + wgt * rv
                a3 = a3 + wgt * gv
                a4 = a4 + wgt * bv
                return (c, a0, a1, a2, a3, a4, cur)

            _, a0, a1, a2, a3, a4, cur_slab = lax.fori_loop(
                0, ntrips, chunk,
                (jnp.float32(0.0), zf, zf, zf, zf, zf, cur_slab))

            ws_s = jnp.sum(a0)
            near_vec = near_v[pl.ds(r, _L)]
            far_vec = far_v[pl.ds(r, _L)]
            dep_vec = (jnp.maximum(jnp.full((_L,), jnp.sum(a1)) - near_vec,
                                   0.0)
                       / (far_vec - near_vec))
            bg = 1.0 - ws_s
            plsc.store_scatter(ws_st, [r + zeros_i],
                               jnp.full((_L,), ws_s), mask=lane0)
            plsc.store_scatter(dep_st, [r + zeros_i], dep_vec, mask=lane0)
            rgb_fin = jnp.where(
                iota == 0, jnp.sum(a2) + bg,
                jnp.where(iota == 1, jnp.sum(a3) + bg, jnp.sum(a4) + bg))
            plsc.store_scatter(img_st, [3 * r + iota], rgb_fin, mask=first3)
            return cur_slab

        lax.fori_loop(0, rpw, ray_body, jnp.int32(-1))

        pltpu.sync_copy(ws_st, ws_out.at[pl.ds(r0, rpw)])
        pltpu.sync_copy(dep_st, dep_out.at[pl.ds(r0, rpw)])
        pltpu.sync_copy(img_st,
                        img_out.at[pl.ds(pl.multiple_of(3 * r0, 8), 3 * rpw)])

    return pl.kernel(
        body,
        out_type=(
            jax.ShapeDtypeStruct((3 * _NRAYS,), jnp.float32),
            jax.ShapeDtypeStruct((_NRAYS,), jnp.float32),
            jax.ShapeDtypeStruct((_NRAYS,), jnp.float32),
        ),
        mesh=mesh,
        compiler_params=pltpu.CompilerParams(needs_layout_passes=False),
        scratch_types=[
            pltpu.VMEM((rpw + 24,), jnp.int32),
            pltpu.VMEM((rpw + 16,), jnp.float32),
            pltpu.VMEM((rpw + 16,), jnp.float32),
            pltpu.VMEM((2 * _S,), jnp.float32),
            pltpu.VMEM((4 * _S,), jnp.float32),
            pltpu.VMEM((6 * _S,), jnp.float32),
            pltpu.VMEM((3 * rpw,), jnp.float32),
            pltpu.VMEM((rpw,), jnp.float32),
            pltpu.VMEM((rpw,), jnp.float32),
            pltpu.SemaphoreType.DMA,
        ],
    )


def kernel(sigmas, rgbs, deltas, cu_seqlens, nears, fars):
    try:
        info = plsc.get_sparse_core_info()
        nc, ns = info.num_cores, info.num_subcores
    except Exception:
        nc, ns = 2, 16
    rpw = _NRAYS // (nc * ns)
    k = _build(nc, ns)
    cu_pad = jnp.concatenate(
        [cu_seqlens.astype(jnp.int32),
         jnp.full((rpw + 24,), _TOTAL, dtype=jnp.int32)])
    img_flat, dep, ws = k(sigmas, rgbs.reshape(-1), deltas.reshape(-1),
                          cu_pad, nears, fars)
    return img_flat.reshape(_NRAYS, 3), dep, ws

# --- scband reference (transcript-rebuilt; emitter-appended) ---
"""Pipeline reference for scband-ne-rfrenderer-74397423501964 (READ-ONLY COPY).

The authoritative reference and input builder live on the scoring server;
editing this copy changes nothing except your own understanding.
"""

import jax, jax.numpy as jnp
import numpy as np

N_RAYS = 8192
TOTAL = 1048576


def setup_inputs(seed: int = 0) -> dict:
    key = jax.random.key(seed)
    k1, k2, k3, k4, k5, k6, k7 = jax.random.split(key, 7)
    sigmas = jax.random.uniform(k1, (TOTAL,), dtype=jnp.float32) * 2.0
    rgbs = jax.random.uniform(k2, (TOTAL, 3), dtype=jnp.float32)
    dts = jax.random.uniform(k3, (TOTAL,), dtype=jnp.float32) * 0.01 + 1e-3
    ts = jax.random.uniform(k4, (TOTAL,), dtype=jnp.float32) * 2.0 + 0.2
    deltas = jnp.stack([dts, ts], axis=-1)
    inner = jnp.sort(jax.random.randint(k5, (N_RAYS - 1,), 0, TOTAL, dtype=jnp.int32))
    cu_seqlens = jnp.concatenate([
        jnp.zeros((1,), dtype=jnp.int32), inner,
        jnp.full((1,), TOTAL, dtype=jnp.int32)
    ])
    nears = jax.random.uniform(k6, (N_RAYS,), dtype=jnp.float32) * 0.5 + 0.2
    fars = nears + jax.random.uniform(k7, (N_RAYS,), dtype=jnp.float32) * 2.0 + 0.5
    return {
        'sigmas': sigmas, 'rgbs': rgbs, 'deltas': deltas,
        'cu_seqlens': cu_seqlens, 'nears': nears, 'fars': fars,
    }


def reference(sigmas, rgbs, deltas, cu_seqlens, nears, fars):
    # Faithful jax translation of NeRFRenderer.run_cuda's ragged composite
    # (raymarching.composite_rays_train): per-ray (segment) volumetric
    # alpha compositing over variable-length sample sequences.
    density_scale = 1.0  # init_kwargs
    bg_color = 1.0       # run_cuda default when bg_radius <= 0 and bg_color is None
    total = sigmas.shape[0]
    n_rays = cu_seqlens.shape[0] - 1
    # segment id for each flat sample
    seg_ids = jnp.searchsorted(cu_seqlens, jnp.arange(total, dtype=jnp.int32), side='right') - 1
    seg_ids = jnp.clip(seg_ids, 0, n_rays - 1)
    sig = density_scale * sigmas
    alpha = 1.0 - jnp.exp(-sig * deltas[:, 0])
    log1ma = jnp.log(jnp.clip(1.0 - alpha, 1e-10, 1.0))
    cs = jnp.cumsum(log1ma)
    ex = jnp.concatenate([jnp.zeros((1,), dtype=cs.dtype), cs[:-1]])
    seg_start_ex = jnp.take(ex, cu_seqlens[:-1], mode='clip')
    base = jnp.take(seg_start_ex, seg_ids)
    T = jnp.exp(ex - base)  # per-sample transmittance (exclusive cumprod within segment)
    weights = alpha * T
    weights_sum = jax.ops.segment_sum(weights, seg_ids, num_segments=n_rays)
    depth_raw = jax.ops.segment_sum(weights * deltas[:, 1], seg_ids, num_segments=n_rays)
    image_raw = jax.ops.segment_sum(weights[:, None] * rgbs, seg_ids, num_segments=n_rays)
    image = image_raw + (1.0 - weights_sum)[:, None] * bg_color
    depth = jnp.clip(depth_raw - nears, 0.0) / (fars - nears)
    return image, depth, weights_sum

if __name__ == "__main__":
    import jax
    _d = setup_inputs()
    print(jax.jit(kernel)(*tuple(_d.values())))

</pallas_src>

<mosaic_0001>
#map = affine_map<(d0, d1) -> (0)>
module attributes {stable_mosaic.version = 14 : i64} {
  func.func @body(%arg0: i32, %arg1: i32, %arg2: memref<1048576xf32, #tpu.memory_space<hbm>>, %arg3: memref<3145728xf32, #tpu.memory_space<hbm>>, %arg4: memref<2097152xf32, #tpu.memory_space<hbm>>, %arg5: memref<8473xi32, #tpu.memory_space<hbm>>, %arg6: memref<8192xf32, #tpu.memory_space<hbm>>, %arg7: memref<8192xf32, #tpu.memory_space<hbm>>, %arg8: memref<24576xf32, #tpu.memory_space<hbm>>, %arg9: memref<8192xf32, #tpu.memory_space<hbm>>, %arg10: memref<8192xf32, #tpu.memory_space<hbm>>, %arg11: memref<280xi32, #tpu.memory_space<vmem>>, %arg12: memref<272xf32, #tpu.memory_space<vmem>>, %arg13: memref<272xf32, #tpu.memory_space<vmem>>, %arg14: memref<8192xf32, #tpu.memory_space<vmem>>, %arg15: memref<16384xf32, #tpu.memory_space<vmem>>, %arg16: memref<24576xf32, #tpu.memory_space<vmem>>, %arg17: memref<768xf32, #tpu.memory_space<vmem>>, %arg18: memref<256xf32, #tpu.memory_space<vmem>>, %arg19: memref<256xf32, #tpu.memory_space<vmem>>, %arg20: memref<!tpu.dma_semaphore, #tpu.memory_space<semaphore_mem>>) attributes {dimension_semantics = [#tpu.dimension_semantics<core_parallel>, #tpu.dimension_semantics<subcore_parallel>], iteration_bounds = array<i64: 2, 16>, scalar_prefetch = 0 : i64, scratch_operands = 10 : i64, tpu.core_type = #tpu.core_type<sc_vector_subcore>, window_params = [{transform_indices = #map}, {transform_indices = #map}, {transform_indices = #map}, {transform_indices = #map}, {transform_indices = #map}, {transform_indices = #map}, {transform_indices = #map}, {transform_indices = #map}, {transform_indices = #map}]} {
    %mul3A = arith.constant 2 : i32
    %mul3A_0 = arith.muli %arg1, %mul3A : i32
    %add3A = arith.addi %mul3A_0, %arg0 : i32
    %mul3A_1 = arith.constant 256 : i32
    %mul3A_2 = arith.muli %add3A, %mul3A_1 : i32
    %multiple_of3A = tpu.assume_multiple %mul3A_2, 8 : i32
    "tpu.region"() ({
      %run_scoped3A = tpu.sem_alloc : memref<!tpu.dma_semaphore, #tpu.memory_space<semaphore_mem>>
      %dma_start3A = tpu.memref_slice %arg5[%multiple_of3A] : memref<8473xi32, #tpu.memory_space<hbm>> -> memref<280xi32, #tpu.memory_space<hbm>>
      %dma_start3A_26 = tpu.memref_slice %arg5[%multiple_of3A] : memref<8473xi32, #tpu.memory_space<hbm>> -> memref<280xi32, #tpu.memory_space<hbm>>
      tpu.enqueue_dma source(%dma_start3A_26 : memref<280xi32, #tpu.memory_space<hbm>>) target(%arg11 : memref<280xi32, #tpu.memory_space<vmem>>) target_semaphore(%run_scoped3A : memref<!tpu.dma_semaphore, #tpu.memory_space<semaphore_mem>>)
      %dma_wait3A = tpu.memref_slice %arg5[%multiple_of3A] : memref<8473xi32, #tpu.memory_space<hbm>> -> memref<280xi32, #tpu.memory_space<hbm>>
      %dma_wait3A_27 = tpu.memref_slice %arg5[%multiple_of3A] : memref<8473xi32, #tpu.memory_space<hbm>> -> memref<280xi32, #tpu.memory_space<hbm>>
      tpu.wait_dma2 semaphore(%run_scoped3A : memref<!tpu.dma_semaphore, #tpu.memory_space<semaphore_mem>>) src(%dma_wait3A_27 : memref<280xi32, #tpu.memory_space<hbm>>) dst(%arg11 : memref<280xi32, #tpu.memory_space<vmem>>)
      tpu.yield
    }) : () -> ()
    "tpu.region"() ({
      %run_scoped3A = tpu.sem_alloc : memref<!tpu.dma_semaphore, #tpu.memory_space<semaphore_mem>>
      %dma_start3A = arith.constant 0 : i32
      %dma_start3A_26 = tpu.memref_slice %arg12[%dma_start3A] : memref<272xf32, #tpu.memory_space<vmem>> -> memref<256xf32, #tpu.memory_space<vmem>>
      %dma_start3A_27 = tpu.memref_slice %arg6[%multiple_of3A] : memref<8192xf32, #tpu.memory_space<hbm>> -> memref<256xf32, #tpu.memory_space<hbm>>
      %dma_start3A_28 = arith.constant 0 : i32
      %dma_start3A_29 = tpu.memref_slice %arg12[%dma_start3A_28] : memref<272xf32, #tpu.memory_space<vmem>> -> memref<256xf32, #tpu.memory_space<vmem>>
      %dma_start3A_30 = tpu.memref_slice %arg6[%multiple_of3A] : memref<8192xf32, #tpu.memory_space<hbm>> -> memref<256xf32, #tpu.memory_space<hbm>>
      tpu.enqueue_dma source(%dma_start3A_30 : memref<256xf32, #tpu.memory_space<hbm>>) target(%dma_start3A_29 : memref<256xf32, #tpu.memory_space<vmem>>) target_semaphore(%run_scoped3A : memref<!tpu.dma_semaphore, #tpu.memory_space<semaphore_mem>>)
      %dma_wait3A = arith.constant 0 : i32
      %dma_wait3A_31 = tpu.memref_slice %arg12[%dma_wait3A] : memref<272xf32, #tpu.memory_space<vmem>> -> memref<256xf32, #tpu.memory_space<vmem>>
      %dma_wait3A_32 = tpu.memref_slice %arg6[%multiple_of3A] : memref<8192xf32, #tpu.memory_space<hbm>> -> memref<256xf32, #tpu.memory_space<hbm>>
      %dma_wait3A_33 = arith.constant 0 : i32
      %dma_wait3A_34 = tpu.memref_slice %arg12[%dma_wait3A_33] : memref<272xf32, #tpu.memory_space<vmem>> -> memref<256xf32, #tpu.memory_space<vmem>>
      %dma_wait3A_35 = tpu.memref_slice %arg6[%multiple_of3A] : memref<8192xf32, #tpu.memory_space<hbm>> -> memref<256xf32, #tpu.memory_space<hbm>>
      tpu.wait_dma2 semaphore(%run_scoped3A : memref<!tpu.dma_semaphore, #tpu.memory_space<semaphore_mem>>) src(%dma_wait3A_35 : memref<256xf32, #tpu.memory_space<hbm>>) dst(%dma_wait3A_34 : memref<256xf32, #tpu.memory_space<vmem>>)
      tpu.yield
    }) : () -> ()
    "tpu.region"() ({
      %run_scoped3A = tpu.sem_alloc : memref<!tpu.dma_semaphore, #tpu.memory_space<semaphore_mem>>
      %dma_start3A = arith.constant 0 : i32
      %dma_start3A_26 = tpu.memref_slice %arg13[%dma_start3A] : memref<272xf32, #tpu.memory_space<vmem>> -> memref<256xf32, #tpu.memory_space<vmem>>
      %dma_start3A_27 = tpu.memref_slice %arg7[%multiple_of3A] : memref<8192xf32, #tpu.memory_space<hbm>> -> memref<256xf32, #tpu.memory_space<hbm>>
      %dma_start3A_28 = arith.constant 0 : i32
      %dma_start3A_29 = tpu.memref_slice %arg13[%dma_start3A_28] : memref<272xf32, #tpu.memory_space<vmem>> -> memref<256xf32, #tpu.memory_space<vmem>>
      %dma_start3A_30 = tpu.memref_slice %arg7[%multiple_of3A] : memref<8192xf32, #tpu.memory_space<hbm>> -> memref<256xf32, #tpu.memory_space<hbm>>
      tpu.enqueue_dma source(%dma_start3A_30 : memref<256xf32, #tpu.memory_space<hbm>>) target(%dma_start3A_29 : memref<256xf32, #tpu.memory_space<vmem>>) target_semaphore(%run_scoped3A : memref<!tpu.dma_semaphore, #tpu.memory_space<semaphore_mem>>)
      %dma_wait3A = arith.constant 0 : i32
      %dma_wait3A_31 = tpu.memref_slice %arg13[%dma_wait3A] : memref<272xf32, #tpu.memory_space<vmem>> -> memref<256xf32, #tpu.memory_space<vmem>>
      %dma_wait3A_32 = tpu.memref_slice %arg7[%multiple_of3A] : memref<8192xf32, #tpu.memory_space<hbm>> -> memref<256xf32, #tpu.memory_space<hbm>>
      %dma_wait3A_33 = arith.constant 0 : i32
      %dma_wait3A_34 = tpu.memref_slice %arg13[%dma_wait3A_33] : memref<272xf32, #tpu.memory_space<vmem>> -> memref<256xf32, #tpu.memory_space<vmem>>
      %dma_wait3A_35 = tpu.memref_slice %arg7[%multiple_of3A] : memref<8192xf32, #tpu.memory_space<hbm>> -> memref<256xf32, #tpu.memory_space<hbm>>
      tpu.wait_dma2 semaphore(%run_scoped3A : memref<!tpu.dma_semaphore, #tpu.memory_space<semaphore_mem>>) src(%dma_wait3A_35 : memref<256xf32, #tpu.memory_space<hbm>>) dst(%dma_wait3A_34 : memref<256xf32, #tpu.memory_space<vmem>>)
      tpu.yield
    }) : () -> ()
    %iota3A = tpu.iota {dimensions = array<i32: 0>} : vector<16xi32>
    %broadcast_in_dim3A = arith.constant 0 : i32
    %broadcast_in_dim3A_3 = vector.broadcast %broadcast_in_dim3A : i32 to vector<16xi32>
    %add3A_4 = arith.constant 1 : i32
    %add3A_5 = vector.broadcast %add3A_4 : i32 to vector<16xi32>
    %add3A_6 = arith.addi %broadcast_in_dim3A_3, %add3A_5 : vector<16xi32>
    %add3A_7 = arith.constant 2 : i32
    %add3A_8 = vector.broadcast %add3A_7 : i32 to vector<16xi32>
    %add3A_9 = arith.addi %broadcast_in_dim3A_3, %add3A_8 : vector<16xi32>
    %broadcast_in_dim3A_10 = arith.constant 0.000000e+00 : f32
    %broadcast_in_dim3A_11 = vector.broadcast %broadcast_in_dim3A_10 : f32 to vector<16xf32>
    %eq3A = arith.constant 0 : i32
    %eq3A_12 = vector.broadcast %eq3A : i32 to vector<16xi32>
    %eq3A_13 = arith.cmpi eq, %iota3A, %eq3A_12 : vector<16xi32>
    %lt3A = arith.constant 3 : i32
    %lt3A_14 = vector.broadcast %lt3A : i32 to vector<16xi32>
    %lt3A_15 = arith.cmpi slt, %iota3A, %lt3A_14 : vector<16xi32>
    %get3A = arith.constant 256 : index
    %get3A_16 = tpu.vector_load %arg11[%get3A] {strides = array<i32>} : memref<280xi32, #tpu.memory_space<vmem>>, vector<16xi32>,
    %slice3A = vector.extract_strided_slice %get3A_16 {offsets = [0], sizes = [1], strides = [1]} : vector<16xi32> to vector<1xi32>
    %squeeze3A = vector.extract %slice3A[0] : i32 from vector<1xi32>
    %scan3A = arith.constant -1 : i32
    %scan3A_17 = arith.constant 0 : i32
    %scan3A_18 = arith.constant 256 : i32
    %scan3A_19 = arith.addi %scan3A_17, %scan3A_18 : i32
    %scan3A_20 = arith.constant 1 : i32
    %scan3A_21 = scf.for %scan3A_26 = %scan3A_17 to %scan3A_19 step %scan3A_20 iter_args(%scan3A_27 = %scan3A) -> (i32)  : i32 {
      %get3A_28 = arith.index_cast %scan3A_26 : i32 to index
      %get3A_29 = tpu.vector_load %arg11[%get3A_28] {strides = array<i32>} : memref<280xi32, #tpu.memory_space<vmem>>, vector<16xi32>,
      %slice3A_30 = vector.extract_strided_slice %get3A_29 {offsets = [0], sizes = [1], strides = [1]} : vector<16xi32> to vector<1xi32>
      %squeeze3A_31 = vector.extract %slice3A_30[0] : i32 from vector<1xi32>
      %slice3A_32 = vector.extract_strided_slice %get3A_29 {offsets = [1], sizes = [1], strides = [1]} : vector<16xi32> to vector<1xi32>
      %squeeze3A_33 = vector.extract %slice3A_32[0] : i32 from vector<1xi32>
      %div3A = arith.constant 16 : i32
      %div3A_34 = arith.divsi %squeeze3A_31, %div3A : i32
      %mul3A_35 = arith.constant 16 : i32
      %mul3A_36 = arith.muli %div3A_34, %mul3A_35 : i32
      %sub3A = arith.subi %squeeze3A_33, %mul3A_36 : i32
      %add3A_37 = arith.constant 15 : i32
      %add3A_38 = arith.addi %sub3A, %add3A_37 : i32
      %div3A_39 = arith.constant 16 : i32
      %div3A_40 = arith.divsi %add3A_38, %div3A_39 : i32
      %while3A = arith.constant 0 : i32
      %while3A_41 = arith.constant 0.000000e+00 : f32
      %while3A_42 = arith.subi %div3A_40, %while3A : i32
      %while3A_43 = arith.addi %while3A, %while3A_42 : i32
      %while3A_44 = arith.constant 1 : i32
      %while3A_45 = arith.divsi %while3A_42, %while3A_44 : i32
      %while3A_46 = arith.muli %while3A_45, %while3A_44 : i32
      %while3A_47 = arith.addi %while3A, %while3A_46 : i32
      %while3A_48 = arith.constant 1 : i32
      %while3A_49:7 = scf.for %while3A_105 = %while3A to %while3A_47 step %while3A_48 iter_args(%while3A_106 = %while3A_41, %while3A_107 = %broadcast_in_dim3A_11, %while3A_108 = %broadcast_in_dim3A_11, %while3A_109 = %broadcast_in_dim3A_11, %while3A_110 = %broadcast_in_dim3A_11, %while3A_111 = %broadcast_in_dim3A_11, %while3A_112 = %scan3A_27) -> (f32, vector<16xf32>, vector<16xf32>, vector<16xf32>, vector<16xf32>, vector<16xf32>, i32)  : i32 {
        %mul3A_113 = arith.constant 16 : i32
        %mul3A_114 = arith.muli %while3A_105, %mul3A_113 : i32
        %add3A_115 = arith.addi %mul3A_36, %mul3A_114 : i32
        %div3A_116 = arith.constant 4096 : i32
        %div3A_117 = arith.divsi %add3A_115, %div3A_116 : i32
        %ne3A = arith.cmpi ne, %div3A_117, %while3A_112 : i32
        %lt3A_118 = arith.constant 0 : i32
        %lt3A_119 = arith.cmpi slt, %while3A_112, %lt3A_118 : i32
        %and3A = arith.andi %ne3A, %lt3A_119 : i1
        %convert_element_type3A = arith.extui %and3A : i1 to i32
        %cond3A = arith.constant 0 : i32
        %cond3A_120 = arith.cmpi ne, %convert_element_type3A, %cond3A : i32
        scf.if %cond3A_120 {
          %rem3A_191 = arith.constant 2 : i32
          %rem3A_192 = arith.remsi %div3A_117, %rem3A_191 : i32
          %mul3A_193 = arith.constant 4096 : i32
          %mul3A_194 = arith.muli %rem3A_192, %mul3A_193 : i32
          %multiple_of3A_195 = tpu.assume_multiple %mul3A_194, 8 : i32
          %mul3A_196 = arith.constant 4096 : i32
          %mul3A_197 = arith.muli %div3A_117, %mul3A_196 : i32
          %multiple_of3A_198 = tpu.assume_multiple %mul3A_197, 4096 : i32
          %mul3A_199 = arith.constant 8192 : i32
          %mul3A_200 = arith.muli %div3A_117, %mul3A_199 : i32
          %multiple_of3A_201 = tpu.assume_multiple %mul3A_200, 8 : i32
          %mul3A_202 = arith.constant 12288 : i32
          %mul3A_203 = arith.muli %div3A_117, %mul3A_202 : i32
          %multiple_of3A_204 = tpu.assume_multiple %mul3A_203, 8 : i32
          %mul3A_205 = arith.constant 2 : i32
          %mul3A_206 = arith.muli %mul3A_205, %multiple_of3A_195 : i32
          %mul3A_207 = arith.constant 3 : i32
          %mul3A_208 = arith.muli %mul3A_207, %multiple_of3A_195 : i32
          %dma_start3A = tpu.memref_slice %arg14[%multiple_of3A_195] : memref<8192xf32, #tpu.memory_space<vmem>> -> memref<4096xf32, #tpu.memory_space<vmem>>
          %dma_start3A_209 = tpu.memref_slice %arg2[%multiple_of3A_198] : memref<1048576xf32, #tpu.memory_space<hbm>> -> memref<4096xf32, #tpu.memory_space<hbm>>
          %dma_start3A_210 = tpu.memref_slice %arg14[%multiple_of3A_195] : memref<8192xf32, #tpu.memory_space<vmem>> -> memref<4096xf32, #tpu.memory_space<vmem>>
          %dma_start3A_211 = tpu.memref_slice %arg2[%multiple_of3A_198] : memref<1048576xf32, #tpu.memory_space<hbm>> -> memref<4096xf32, #tpu.memory_space<hbm>>
          tpu.enqueue_dma source(%dma_start3A_211 : memref<4096xf32, #tpu.memory_space<hbm>>) target(%dma_start3A_210 : memref<4096xf32, #tpu.memory_space<vmem>>) target_semaphore(%arg20 : memref<!tpu.dma_semaphore, #tpu.memory_space<semaphore_mem>>)
          %dma_start3A_212 = tpu.memref_slice %arg15[%mul3A_206] : memref<16384xf32, #tpu.memory_space<vmem>> -> memref<8192xf32, #tpu.memory_space<vmem>>
          %dma_start3A_213 = tpu.memref_slice %arg4[%multiple_of3A_201] : memref<2097152xf32, #tpu.memory_space<hbm>> -> memref<8192xf32, #tpu.memory_space<hbm>>
          %dma_start3A_214 = tpu.memref_slice %arg15[%mul3A_206] : memref<16384xf32, #tpu.memory_space<vmem>> -> memref<8192xf32, #tpu.memory_space<vmem>>
          %dma_start3A_215 = tpu.memref_slice %arg4[%multiple_of3A_201] : memref<2097152xf32, #tpu.memory_space<hbm>> -> memref<8192xf32, #tpu.memory_space<hbm>>
          tpu.enqueue_dma source(%dma_start3A_215 : memref<8192xf32, #tpu.memory_space<hbm>>) target(%dma_start3A_214 : memref<8192xf32, #tpu.memory_space<vmem>>) target_semaphore(%arg20 : memref<!tpu.dma_semaphore, #tpu.memory_space<semaphore_mem>>)
          %dma_start3A_216 = tpu.memref_slice %arg16[%mul3A_208] : memref<24576xf32, #tpu.memory_space<vmem>> -> memref<12288xf32, #tpu.memory_space<vmem>>
          %dma_start3A_217 = tpu.memref_slice %arg3[%multiple_of3A_204] : memref<3145728xf32, #tpu.memory_space<hbm>> -> memref<12288xf32, #tpu.memory_space<hbm>>
          %dma_start3A_218 = tpu.memref_slice %arg16[%mul3A_208] : memref<24576xf32, #tpu.memory_space<vmem>> -> memref<12288xf32, #tpu.memory_space<vmem>>
          %dma_start3A_219 = tpu.memref_slice %arg3[%multiple_of3A_204] : memref<3145728xf32, #tpu.memory_space<hbm>> -> memref<12288xf32, #tpu.memory_space<hbm>>
          tpu.enqueue_dma source(%dma_start3A_219 : memref<12288xf32, #tpu.memory_space<hbm>>) target(%dma_start3A_218 : memref<12288xf32, #tpu.memory_space<vmem>>) target_semaphore(%arg20 : memref<!tpu.dma_semaphore, #tpu.memory_space<semaphore_mem>>)
        } else {
        }
        %convert_element_type3A_121 = arith.extui %ne3A : i1 to i32
        %cond3A_122 = arith.constant 0 : i32
        %cond3A_123 = arith.cmpi ne, %convert_element_type3A_121, %cond3A_122 : i32
        scf.if %cond3A_123 {
          %rem3A_191 = arith.constant 2 : i32
          %rem3A_192 = arith.remsi %div3A_117, %rem3A_191 : i32
          %mul3A_193 = arith.constant 4096 : i32
          %mul3A_194 = arith.muli %rem3A_192, %mul3A_193 : i32
          %multiple_of3A_195 = tpu.assume_multiple %mul3A_194, 8 : i32
          %mul3A_196 = arith.constant 4096 : i32
          %mul3A_197 = arith.muli %div3A_117, %mul3A_196 : i32
          %multiple_of3A_198 = tpu.assume_multiple %mul3A_197, 4096 : i32
          %mul3A_199 = arith.constant 8192 : i32
          %mul3A_200 = arith.muli %div3A_117, %mul3A_199 : i32
          %multiple_of3A_201 = tpu.assume_multiple %mul3A_200, 8 : i32
          %mul3A_202 = arith.constant 12288 : i32
          %mul3A_203 = arith.muli %div3A_117, %mul3A_202 : i32
          %multiple_of3A_204 = tpu.assume_multiple %mul3A_203, 8 : i32
          %mul3A_205 = arith.constant 2 : i32
          %mul3A_206 = arith.muli %mul3A_205, %multiple_of3A_195 : i32
          %mul3A_207 = arith.constant 3 : i32
          %mul3A_208 = arith.muli %mul3A_207, %multiple_of3A_195 : i32
          %dma_wait3A = tpu.memref_slice %arg14[%multiple_of3A_195] : memref<8192xf32, #tpu.memory_space<vmem>> -> memref<4096xf32, #tpu.memory_space<vmem>>
          %dma_wait3A_209 = tpu.memref_slice %arg2[%multiple_of3A_198] : memref<1048576xf32, #tpu.memory_space<hbm>> -> memref<4096xf32, #tpu.memory_space<hbm>>
          %dma_wait3A_210 = tpu.memref_slice %arg14[%multiple_of3A_195] : memref<8192xf32, #tpu.memory_space<vmem>> -> memref<4096xf32, #tpu.memory_space<vmem>>
          %dma_wait3A_211 = tpu.memref_slice %arg2[%multiple_of3A_198] : memref<1048576xf32, #tpu.memory_space<hbm>> -> memref<4096xf32, #tpu.memory_space<hbm>>
          tpu.wait_dma2 semaphore(%arg20 : memref<!tpu.dma_semaphore, #tpu.memory_space<semaphore_mem>>) src(%dma_wait3A_211 : memref<4096xf32, #tpu.memory_space<hbm>>) dst(%dma_wait3A_210 : memref<4096xf32, #tpu.memory_space<vmem>>)
          %dma_wait3A_212 = tpu.memref_slice %arg15[%mul3A_206] : memref<16384xf32, #tpu.memory_space<vmem>> -> memref<8192xf32, #tpu.memory_space<vmem>>
          %dma_wait3A_213 = tpu.memref_slice %arg4[%multiple_of3A_201] : memref<2097152xf32, #tpu.memory_space<hbm>> -> memref<8192xf32, #tpu.memory_space<hbm>>
          %dma_wait3A_214 = tpu.memref_slice %arg15[%mul3A_206] : memref<16384xf32, #tpu.memory_space<vmem>> -> memref<8192xf32, #tpu.memory_space<vmem>>
          %dma_wait3A_215 = tpu.memref_slice %arg4[%multiple_of3A_201] : memref<2097152xf32, #tpu.memory_space<hbm>> -> memref<8192xf32, #tpu.memory_space<hbm>>
          tpu.wait_dma2 semaphore(%arg20 : memref<!tpu.dma_semaphore, #tpu.memory_space<semaphore_mem>>) src(%dma_wait3A_215 : memref<8192xf32, #tpu.memory_space<hbm>>) dst(%dma_wait3A_214 : memref<8192xf32, #tpu.memory_space<vmem>>)
          %dma_wait3A_216 = tpu.memref_slice %arg16[%mul3A_208] : memref<24576xf32, #tpu.memory_space<vmem>> -> memref<12288xf32, #tpu.memory_space<vmem>>
          %dma_wait3A_217 = tpu.memref_slice %arg3[%multiple_of3A_204] : memref<3145728xf32, #tpu.memory_space<hbm>> -> memref<12288xf32, #tpu.memory_space<hbm>>
          %dma_wait3A_218 = tpu.memref_slice %arg16[%mul3A_208] : memref<24576xf32, #tpu.memory_space<vmem>> -> memref<12288xf32, #tpu.memory_space<vmem>>
          %dma_wait3A_219 = tpu.memref_slice %arg3[%multiple_of3A_204] : memref<3145728xf32, #tpu.memory_space<hbm>> -> memref<12288xf32, #tpu.memory_space<hbm>>
          tpu.wait_dma2 semaphore(%arg20 : memref<!tpu.dma_semaphore, #tpu.memory_space<semaphore_mem>>) src(%dma_wait3A_219 : memref<12288xf32, #tpu.memory_space<hbm>>) dst(%dma_wait3A_218 : memref<12288xf32, #tpu.memory_space<vmem>>)
          %add3A_220 = arith.constant 1 : i32
          %add3A_221 = arith.addi %div3A_117, %add3A_220 : i32
          %mul3A_222 = arith.constant 4096 : i32
          %mul3A_223 = arith.muli %add3A_221, %mul3A_222 : i32
          %lt3A_224 = arith.cmpi slt, %mul3A_223, %squeeze3A : i32
          %convert_element_type3A_225 = arith.extui %lt3A_224 : i1 to i32
          %cond3A_226 = arith.constant 0 : i32
          %cond3A_227 = arith.cmpi ne, %convert_element_type3A_225, %cond3A_226 : i32
          scf.if %cond3A_227 {
            %add3A_228 = arith.constant 1 : i32
            %add3A_229 = arith.addi %div3A_117, %add3A_228 : i32
            %rem3A_230 = arith.constant 2 : i32
            %rem3A_231 = arith.remsi %add3A_229, %rem3A_230 : i32
            %mul3A_232 = arith.constant 4096 : i32
            %mul3A_233 = arith.muli %rem3A_231, %mul3A_232 : i32
            %multiple_of3A_234 = tpu.assume_multiple %mul3A_233, 8 : i32
            %mul3A_235 = arith.constant 4096 : i32
            %mul3A_236 = arith.muli %add3A_229, %mul3A_235 : i32
            %multiple_of3A_237 = tpu.assume_multiple %mul3A_236, 4096 : i32
            %mul3A_238 = arith.constant 8192 : i32
            %mul3A_239 = arith.muli %add3A_229, %mul3A_238 : i32
            %multiple_of3A_240 = tpu.assume_multiple %mul3A_239, 8 : i32
            %mul3A_241 = arith.constant 12288 : i32
            %mul3A_242 = arith.muli %add3A_229, %mul3A_241 : i32
            %multiple_of3A_243 = tpu.assume_multiple %mul3A_242, 8 : i32
            %mul3A_244 = arith.constant 2 : i32
            %mul3A_245 = arith.muli %mul3A_244, %multiple_of3A_234 : i32
            %mul3A_246 = arith.constant 3 : i32
            %mul3A_247 = arith.muli %mul3A_246, %multiple_of3A_234 : i32
            %dma_start3A = tpu.memref_slice %arg14[%multiple_of3A_234] : memref<8192xf32, #tpu.memory_space<vmem>> -> memref<4096xf32, #tpu.memory_space<vmem>>
            %dma_start3A_248 = tpu.memref_slice %arg2[%multiple_of3A_237] : memref<1048576xf32, #tpu.memory_space<hbm>> -> memref<4096xf32, #tpu.memory_space<hbm>>
            %dma_start3A_249 = tpu.memref_slice %arg14[%multiple_of3A_234] : memref<8192xf32, #tpu.memory_space<vmem>> -> memref<4096xf32, #tpu.memory_space<vmem>>
            %dma_start3A_250 = tpu.memref_slice %arg2[%multiple_of3A_237] : memref<1048576xf32, #tpu.memory_space<hbm>> -> memref<4096xf32, #tpu.memory_space<hbm>>
            tpu.enqueue_dma source(%dma_start3A_250 : memref<4096xf32, #tpu.memory_space<hbm>>) target(%dma_start3A_249 : memref<4096xf32, #tpu.memory_space<vmem>>) target_semaphore(%arg20 : memref<!tpu.dma_semaphore, #tpu.memory_space<semaphore_mem>>)
            %dma_start3A_251 = tpu.memref_slice %arg15[%mul3A_245] : memref<16384xf32, #tpu.memory_space<vmem>> -> memref<8192xf32, #tpu.memory_space<vmem>>
            %dma_start3A_252 = tpu.memref_slice %arg4[%multiple_of3A_240] : memref<2097152xf32, #tpu.memory_space<hbm>> -> memref<8192xf32, #tpu.memory_space<hbm>>
            %dma_start3A_253 = tpu.memref_slice %arg15[%mul3A_245] : memref<16384xf32, #tpu.memory_space<vmem>> -> memref<8192xf32, #tpu.memory_space<vmem>>
            %dma_start3A_254 = tpu.memref_slice %arg4[%multiple_of3A_240] : memref<2097152xf32, #tpu.memory_space<hbm>> -> memref<8192xf32, #tpu.memory_space<hbm>>
            tpu.enqueue_dma source(%dma_start3A_254 : memref<8192xf32, #tpu.memory_space<hbm>>) target(%dma_start3A_253 : memref<8192xf32, #tpu.memory_space<vmem>>) target_semaphore(%arg20 : memref<!tpu.dma_semaphore, #tpu.memory_space<semaphore_mem>>)
            %dma_start3A_255 = tpu.memref_slice %arg16[%mul3A_247] : memref<24576xf32, #tpu.memory_space<vmem>> -> memref<12288xf32, #tpu.memory_space<vmem>>
            %dma_start3A_256 = tpu.memref_slice %arg3[%multiple_of3A_243] : memref<3145728xf32, #tpu.memory_space<hbm>> -> memref<12288xf32, #tpu.memory_space<hbm>>
            %dma_start3A_257 = tpu.memref_slice %arg16[%mul3A_247] : memref<24576xf32, #tpu.memory_space<vmem>> -> memref<12288xf32, #tpu.memory_space<vmem>>
            %dma_start3A_258 = tpu.memref_slice %arg3[%multiple_of3A_243] : memref<3145728xf32, #tpu.memory_space<hbm>> -> memref<12288xf32, #tpu.memory_space<hbm>>
            tpu.enqueue_dma source(%dma_start3A_258 : memref<12288xf32, #tpu.memory_space<hbm>>) target(%dma_start3A_257 : memref<12288xf32, #tpu.memory_space<vmem>>) target_semaphore(%arg20 : memref<!tpu.dma_semaphore, #tpu.memory_space<semaphore_mem>>)
          } else {
          }
        } else {
        }
        %select_n3A_124 = arith.select %ne3A, %div3A_117, %while3A_112 : i32
        %add3A_125 = vector.broadcast %add3A_115 : i32 to vector<16xi32>
        %add3A_126 = arith.addi %add3A_125, %iota3A : vector<16xi32>
        %ge3A = vector.broadcast %squeeze3A_31 : i32 to vector<16xi32>
        %ge3A_127 = arith.cmpi sge, %add3A_126, %ge3A : vector<16xi32>
        %lt3A_128 = vector.broadcast %squeeze3A_33 : i32 to vector<16xi32>
        %lt3A_129 = arith.cmpi slt, %add3A_126, %lt3A_128 : vector<16xi32>
        %and3A_130 = arith.andi %ge3A_127, %lt3A_129 : vector<16xi1>
        %mul3A_131 = arith.constant 4096 : i32
        %mul3A_132 = arith.muli %div3A_117, %mul3A_131 : i32
        %sub3A_133 = arith.subi %add3A_115, %mul3A_132 : i32
        %rem3A = arith.constant 2 : i32
        %rem3A_134 = arith.remsi %div3A_117, %rem3A : i32
        %mul3A_135 = arith.constant 4096 : i32
        %mul3A_136 = arith.muli %rem3A_134, %mul3A_135 : i32
        %add3A_137 = arith.addi %sub3A_133, %mul3A_136 : i32
        %add3A_138 = vector.broadcast %add3A_137 : i32 to vector<16xi32>
        %add3A_139 = arith.addi %add3A_138, %iota3A : vector<16xi32>
        %get3A_140 = arith.index_cast %add3A_137 : i32 to index
        %get3A_141 = tpu.vector_load %arg14[%get3A_140] {strides = array<i32>} : memref<8192xf32, #tpu.memory_space<vmem>>, vector<16xf32>,
        %mul3A_142 = arith.constant 2 : i32
        %mul3A_143 = vector.broadcast %mul3A_142 : i32 to vector<16xi32>
        %mul3A_144 = arith.muli %add3A_139, %mul3A_143 : vector<16xi32>
        %mul3A_145 = arith.constant 3 : i32
        %mul3A_146 = vector.broadcast %mul3A_145 : i32 to vector<16xi32>
        %mul3A_147 = arith.muli %add3A_139, %mul3A_146 : vector<16xi32>
        %gather3A = tpu.vector_load_idx %arg15[%mul3A_144] : memref<16384xf32, #tpu.memory_space<vmem>>[vector<16xi32>], vector<16xf32>,
        %add3A_148 = arith.constant 1 : i32
        %add3A_149 = vector.broadcast %add3A_148 : i32 to vector<16xi32>
        %add3A_150 = arith.addi %mul3A_144, %add3A_149 : vector<16xi32>
        %gather3A_151 = tpu.vector_load_idx %arg15[%add3A_150] : memref<16384xf32, #tpu.memory_space<vmem>>[vector<16xi32>], vector<16xf32>,
        %neg3A = arith.constant 0.000000e+00 : f32
        %neg3A_152 = vector.broadcast %neg3A : f32 to vector<16xf32>
        %neg3A_153 = arith.subf %neg3A_152, %get3A_141 : vector<16xf32>
        %mul3A_154 = arith.mulf %neg3A_153, %gather3A : vector<16xf32>
        %jit3A = arith.constant 0.000000e+00 : f32
        %broadcast_in_dim3A_155 = vector.broadcast %jit3A : f32 to vector<16xf32>
        %select_n3A_156 = arith.select %and3A_130, %mul3A_154, %broadcast_in_dim3A_155 : vector<16xi1>, vector<16xf32>
        %exp3A = math.exp %select_n3A_156 : vector<16xf32>
        %broadcast_in_dim3A_157 = arith.constant true
        %broadcast_in_dim3A_158 = vector.broadcast %broadcast_in_dim3A_157 : i1 to vector<16xi1>
        %masked_cumsum3A = tpu.scan <sum>, %select_n3A_156 masked %broadcast_in_dim3A_158 : vector<16xf32>, vector<16xi1> -> vector<16xf32>
        %add3A_159 = vector.broadcast %while3A_106 : f32 to vector<16xf32>
        %add3A_160 = arith.addf %add3A_159, %masked_cumsum3A : vector<16xf32>
        %sub3A_161 = arith.subf %add3A_160, %select_n3A_156 : vector<16xf32>
        %exp3A_162 = math.exp %sub3A_161 : vector<16xf32>
        %sub3A_163 = arith.constant 1.000000e+00 : f32
        %sub3A_164 = vector.broadcast %sub3A_163 : f32 to vector<16xf32>
        %sub3A_165 = arith.subf %sub3A_164, %exp3A : vector<16xf32>
        %mul3A_166 = arith.mulf %sub3A_165, %exp3A_162 : vector<16xf32>
        %jit3A_167 = arith.constant 0.000000e+00 : f32
        %broadcast_in_dim3A_168 = vector.broadcast %jit3A_167 : f32 to vector<16xf32>
        %select_n3A_169 = arith.select %and3A_130, %mul3A_166, %broadcast_in_dim3A_168 : vector<16xi1>, vector<16xf32>
        %slice3A_170 = vector.extract_strided_slice %masked_cumsum3A {offsets = [15], sizes = [1], strides = [1]} : vector<16xf32> to vector<1xf32>
        %squeeze3A_171 = vector.extract %slice3A_170[0] : f32 from vector<1xf32>
        %add3A_172 = arith.addf %while3A_106, %squeeze3A_171 : f32
        %gather3A_173 = tpu.vector_load_idx %arg16[%mul3A_147] : memref<24576xf32, #tpu.memory_space<vmem>>[vector<16xi32>], vector<16xf32>,
        %add3A_174 = arith.constant 1 : i32
        %add3A_175 = vector.broadcast %add3A_174 : i32 to vector<16xi32>
        %add3A_176 = arith.addi %mul3A_147, %add3A_175 : vector<16xi32>
        %gather3A_177 = tpu.vector_load_idx %arg16[%add3A_176] : memref<24576xf32, #tpu.memory_space<vmem>>[vector<16xi32>], vector<16xf32>,
        %add3A_178 = arith.constant 2 : i32
        %add3A_179 = vector.broadcast %add3A_178 : i32 to vector<16xi32>
        %add3A_180 = arith.addi %mul3A_147, %add3A_179 : vector<16xi32>
        %gather3A_181 = tpu.vector_load_idx %arg16[%add3A_180] : memref<24576xf32, #tpu.memory_space<vmem>>[vector<16xi32>], vector<16xf32>,
        %add3A_182 = arith.addf %while3A_107, %select_n3A_169 : vector<16xf32>
        %mul3A_183 = arith.mulf %select_n3A_169, %gather3A_151 : vector<16xf32>
        %add3A_184 = arith.addf %while3A_108, %mul3A_183 : vector<16xf32>
        %mul3A_185 = arith.mulf %select_n3A_169, %gather3A_173 : vector<16xf32>
        %add3A_186 = arith.addf %while3A_109, %mul3A_185 : vector<16xf32>
        %mul3A_187 = arith.mulf %select_n3A_169, %gather3A_177 : vector<16xf32>
        %add3A_188 = arith.addf %while3A_110, %mul3A_187 : vector<16xf32>
        %mul3A_189 = arith.mulf %select_n3A_169, %gather3A_181 : vector<16xf32>
        %add3A_190 = arith.addf %while3A_111, %mul3A_189 : vector<16xf32>
        scf.yield %add3A_172, %add3A_182, %add3A_184, %add3A_186, %add3A_188, %add3A_190, %select_n3A_124 : f32, vector<16xf32>, vector<16xf32>, vector<16xf32>, vector<16xf32>, vector<16xf32>, i32
      }
      %while3A_50 = arith.constant 1 : i32
      %while3A_51:7 = scf.for %while3A_105 = %while3A_47 to %while3A_43 step %while3A_50 iter_args(%while3A_106 = %while3A_49#0, %while3A_107 = %while3A_49#1, %while3A_108 = %while3A_49#2, %while3A_109 = %while3A_49#3, %while3A_110 = %while3A_49#4, %while3A_111 = %while3A_49#5, %while3A_112 = %while3A_49#6) -> (f32, vector<16xf32>, vector<16xf32>, vector<16xf32>, vector<16xf32>, vector<16xf32>, i32)  : i32 {
        %mul3A_113 = arith.constant 16 : i32
        %mul3A_114 = arith.muli %while3A_105, %mul3A_113 : i32
        %add3A_115 = arith.addi %mul3A_36, %mul3A_114 : i32
        %div3A_116 = arith.constant 4096 : i32
        %div3A_117 = arith.divsi %add3A_115, %div3A_116 : i32
        %ne3A = arith.cmpi ne, %div3A_117, %while3A_112 : i32
        %lt3A_118 = arith.constant 0 : i32
        %lt3A_119 = arith.cmpi slt, %while3A_112, %lt3A_118 : i32
        %and3A = arith.andi %ne3A, %lt3A_119 : i1
        %convert_element_type3A = arith.extui %and3A : i1 to i32
        %cond3A = arith.constant 0 : i32
        %cond3A_120 = arith.cmpi ne, %convert_element_type3A, %cond3A : i32
        scf.if %cond3A_120 {
          %rem3A_191 = arith.constant 2 : i32
          %rem3A_192 = arith.remsi %div3A_117, %rem3A_191 : i32
          %mul3A_193 = arith.constant 4096 : i32
          %mul3A_194 = arith.muli %rem3A_192, %mul3A_193 : i32
          %multiple_of3A_195 = tpu.assume_multiple %mul3A_194, 8 : i32
          %mul3A_196 = arith.constant 4096 : i32
          %mul3A_197 = arith.muli %div3A_117, %mul3A_196 : i32
          %multiple_of3A_198 = tpu.assume_multiple %mul3A_197, 4096 : i32
          %mul3A_199 = arith.constant 8192 : i32
          %mul3A_200 = arith.muli %div3A_117, %mul3A_199 : i32
          %multiple_of3A_201 = tpu.assume_multiple %mul3A_200, 8 : i32
          %mul3A_202 = arith.constant 12288 : i32
          %mul3A_203 = arith.muli %div3A_117, %mul3A_202 : i32
          %multiple_of3A_204 = tpu.assume_multiple %mul3A_203, 8 : i32
          %mul3A_205 = arith.constant 2 : i32
          %mul3A_206 = arith.muli %mul3A_205, %multiple_of3A_195 : i32
          %mul3A_207 = arith.constant 3 : i32
          %mul3A_208 = arith.muli %mul3A_207, %multiple_of3A_195 : i32
          %dma_start3A = tpu.memref_slice %arg14[%multiple_of3A_195] : memref<8192xf32, #tpu.memory_space<vmem>> -> memref<4096xf32, #tpu.memory_space<vmem>>
          %dma_start3A_209 = tpu.memref_slice %arg2[%multiple_of3A_198] : memref<1048576xf32, #tpu.memory_space<hbm>> -> memref<4096xf32, #tpu.memory_space<hbm>>
          %dma_start3A_210 = tpu.memref_slice %arg14[%multiple_of3A_195] : memref<8192xf32, #tpu.memory_space<vmem>> -> memref<4096xf32, #tpu.memory_space<vmem>>
          %dma_start3A_211 = tpu.memref_slice %arg2[%multiple_of3A_198] : memref<1048576xf32, #tpu.memory_space<hbm>> -> memref<4096xf32, #tpu.memory_space<hbm>>
          tpu.enqueue_dma source(%dma_start3A_211 : memref<4096xf32, #tpu.memory_space<hbm>>) target(%dma_start3A_210 : memref<4096xf32, #tpu.memory_space<vmem>>) target_semaphore(%arg20 : memref<!tpu.dma_semaphore, #tpu.memory_space<semaphore_mem>>)
          %dma_start3A_212 = tpu.memref_slice %arg15[%mul3A_206] : memref<16384xf32, #tpu.memory_space<vmem>> -> memref<8192xf32, #tpu.memory_space<vmem>>
          %dma_start3A_213 = tpu.memref_slice %arg4[%multiple_of3A_201] : memref<2097152xf32, #tpu.memory_space<hbm>> -> memref<8192xf32, #tpu.memory_space<hbm>>
          %dma_start3A_214 = tpu.memref_slice %arg15[%mul3A_206] : memref<16384xf32, #tpu.memory_space<vmem>> -> memref<8192xf32, #tpu.memory_space<vmem>>
          %dma_start3A_215 = tpu.memref_slice %arg4[%multiple_of3A_201] : memref<2097152xf32, #tpu.memory_space<hbm>> -> memref<8192xf32, #tpu.memory_space<hbm>>
          tpu.enqueue_dma source(%dma_start3A_215 : memref<8192xf32, #tpu.memory_space<hbm>>) target(%dma_start3A_214 : memref<8192xf32, #tpu.memory_space<vmem>>) target_semaphore(%arg20 : memref<!tpu.dma_semaphore, #tpu.memory_space<semaphore_mem>>)
          %dma_start3A_216 = tpu.memref_slice %arg16[%mul3A_208] : memref<24576xf32, #tpu.memory_space<vmem>> -> memref<12288xf32, #tpu.memory_space<vmem>>
          %dma_start3A_217 = tpu.memref_slice %arg3[%multiple_of3A_204] : memref<3145728xf32, #tpu.memory_space<hbm>> -> memref<12288xf32, #tpu.memory_space<hbm>>
          %dma_start3A_218 = tpu.memref_slice %arg16[%mul3A_208] : memref<24576xf32, #tpu.memory_space<vmem>> -> memref<12288xf32, #tpu.memory_space<vmem>>
          %dma_start3A_219 = tpu.memref_slice %arg3[%multiple_of3A_204] : memref<3145728xf32, #tpu.memory_space<hbm>> -> memref<12288xf32, #tpu.memory_space<hbm>>
          tpu.enqueue_dma source(%dma_start3A_219 : memref<12288xf32, #tpu.memory_space<hbm>>) target(%dma_start3A_218 : memref<12288xf32, #tpu.memory_space<vmem>>) target_semaphore(%arg20 : memref<!tpu.dma_semaphore, #tpu.memory_space<semaphore_mem>>)
        } else {
        }
        %convert_element_type3A_121 = arith.extui %ne3A : i1 to i32
        %cond3A_122 = arith.constant 0 : i32
        %cond3A_123 = arith.cmpi ne, %convert_element_type3A_121, %cond3A_122 : i32
        scf.if %cond3A_123 {
          %rem3A_191 = arith.constant 2 : i32
          %rem3A_192 = arith.remsi %div3A_117, %rem3A_191 : i32
          %mul3A_193 = arith.constant 4096 : i32
          %mul3A_194 = arith.muli %rem3A_192, %mul3A_193 : i32
          %multiple_of3A_195 = tpu.assume_multiple %mul3A_194, 8 : i32
          %mul3A_196 = arith.constant 4096 : i32
          %mul3A_197 = arith.muli %div3A_117, %mul3A_196 : i32
          %multiple_of3A_198 = tpu.assume_multiple %mul3A_197, 4096 : i32
          %mul3A_199 = arith.constant 8192 : i32
          %mul3A_200 = arith.muli %div3A_117, %mul3A_199 : i32
          %multiple_of3A_201 = tpu.assume_multiple %mul3A_200, 8 : i32
          %mul3A_202 = arith.constant 12288 : i32
          %mul3A_203 = arith.muli %div3A_117, %mul3A_202 : i32
          %multiple_of3A_204 = tpu.assume_multiple %mul3A_203, 8 : i32
          %mul3A_205 = arith.constant 2 : i32
          %mul3A_206 = arith.muli %mul3A_205, %multiple_of3A_195 : i32
          %mul3A_207 = arith.constant 3 : i32
          %mul3A_208 = arith.muli %mul3A_207, %multiple_of3A_195 : i32
          %dma_wait3A = tpu.memref_slice %arg14[%multiple_of3A_195] : memref<8192xf32, #tpu.memory_space<vmem>> -> memref<4096xf32, #tpu.memory_space<vmem>>
          %dma_wait3A_209 = tpu.memref_slice %arg2[%multiple_of3A_198] : memref<1048576xf32, #tpu.memory_space<hbm>> -> memref<4096xf32, #tpu.memory_space<hbm>>
          %dma_wait3A_210 = tpu.memref_slice %arg14[%multiple_of3A_195] : memref<8192xf32, #tpu.memory_space<vmem>> -> memref<4096xf32, #tpu.memory_space<vmem>>
          %dma_wait3A_211 = tpu.memref_slice %arg2[%multiple_of3A_198] : memref<1048576xf32, #tpu.memory_space<hbm>> -> memref<4096xf32, #tpu.memory_space<hbm>>
          tpu.wait_dma2 semaphore(%arg20 : memref<!tpu.dma_semaphore, #tpu.memory_space<semaphore_mem>>) src(%dma_wait3A_211 : memref<4096xf32, #tpu.memory_space<hbm>>) dst(%dma_wait3A_210 : memref<4096xf32, #tpu.memory_space<vmem>>)
          %dma_wait3A_212 = tpu.memref_slice %arg15[%mul3A_206] : memref<16384xf32, #tpu.memory_space<vmem>> -> memref<8192xf32, #tpu.memory_space<vmem>>
          %dma_wait3A_213 = tpu.memref_slice %arg4[%multiple_of3A_201] : memref<2097152xf32, #tpu.memory_space<hbm>> -> memref<8192xf32, #tpu.memory_space<hbm>>
          %dma_wait3A_214 = tpu.memref_slice %arg15[%mul3A_206] : memref<16384xf32, #tpu.memory_space<vmem>> -> memref<8192xf32, #tpu.memory_space<vmem>>
          %dma_wait3A_215 = tpu.memref_slice %arg4[%multiple_of3A_201] : memref<2097152xf32, #tpu.memory_space<hbm>> -> memref<8192xf32, #tpu.memory_space<hbm>>
          tpu.wait_dma2 semaphore(%arg20 : memref<!tpu.dma_semaphore, #tpu.memory_space<semaphore_mem>>) src(%dma_wait3A_215 : memref<8192xf32, #tpu.memory_space<hbm>>) dst(%dma_wait3A_214 : memref<8192xf32, #tpu.memory_space<vmem>>)
          %dma_wait3A_216 = tpu.memref_slice %arg16[%mul3A_208] : memref<24576xf32, #tpu.memory_space<vmem>> -> memref<12288xf32, #tpu.memory_space<vmem>>
          %dma_wait3A_217 = tpu.memref_slice %arg3[%multiple_of3A_204] : memref<3145728xf32, #tpu.memory_space<hbm>> -> memref<12288xf32, #tpu.memory_space<hbm>>
          %dma_wait3A_218 = tpu.memref_slice %arg16[%mul3A_208] : memref<24576xf32, #tpu.memory_space<vmem>> -> memref<12288xf32, #tpu.memory_space<vmem>>
          %dma_wait3A_219 = tpu.memref_slice %arg3[%multiple_of3A_204] : memref<3145728xf32, #tpu.memory_space<hbm>> -> memref<12288xf32, #tpu.memory_space<hbm>>
          tpu.wait_dma2 semaphore(%arg20 : memref<!tpu.dma_semaphore, #tpu.memory_space<semaphore_mem>>) src(%dma_wait3A_219 : memref<12288xf32, #tpu.memory_space<hbm>>) dst(%dma_wait3A_218 : memref<12288xf32, #tpu.memory_space<vmem>>)
          %add3A_220 = arith.constant 1 : i32
          %add3A_221 = arith.addi %div3A_117, %add3A_220 : i32
          %mul3A_222 = arith.constant 4096 : i32
          %mul3A_223 = arith.muli %add3A_221, %mul3A_222 : i32
          %lt3A_224 = arith.cmpi slt, %mul3A_223, %squeeze3A : i32
          %convert_element_type3A_225 = arith.extui %lt3A_224 : i1 to i32
          %cond3A_226 = arith.constant 0 : i32
          %cond3A_227 = arith.cmpi ne, %convert_element_type3A_225, %cond3A_226 : i32
          scf.if %cond3A_227 {
            %add3A_228 = arith.constant 1 : i32
            %add3A_229 = arith.addi %div3A_117, %add3A_228 : i32
            %rem3A_230 = arith.constant 2 : i32
            %rem3A_231 = arith.remsi %add3A_229, %rem3A_230 : i32
            %mul3A_232 = arith.constant 4096 : i32
            %mul3A_233 = arith.muli %rem3A_231, %mul3A_232 : i32
            %multiple_of3A_234 = tpu.assume_multiple %mul3A_233, 8 : i32
            %mul3A_235 = arith.constant 4096 : i32
            %mul3A_236 = arith.muli %add3A_229, %mul3A_235 : i32
            %multiple_of3A_237 = tpu.assume_multiple %mul3A_236, 4096 : i32
            %mul3A_238 = arith.constant 8192 : i32
            %mul3A_239 = arith.muli %add3A_229, %mul3A_238 : i32
            %multiple_of3A_240 = tpu.assume_multiple %mul3A_239, 8 : i32
            %mul3A_241 = arith.constant 12288 : i32
            %mul3A_242 = arith.muli %add3A_229, %mul3A_241 : i32
            %multiple_of3A_243 = tpu.assume_multiple %mul3A_242, 8 : i32
            %mul3A_244 = arith.constant 2 : i32
            %mul3A_245 = arith.muli %mul3A_244, %multiple_of3A_234 : i32
            %mul3A_246 = arith.constant 3 : i32
            %mul3A_247 = arith.muli %mul3A_246, %multiple_of3A_234 : i32
            %dma_start3A = tpu.memref_slice %arg14[%multiple_of3A_234] : memref<8192xf32, #tpu.memory_space<vmem>> -> memref<4096xf32, #tpu.memory_space<vmem>>
            %dma_start3A_248 = tpu.memref_slice %arg2[%multiple_of3A_237] : memref<1048576xf32, #tpu.memory_space<hbm>> -> memref<4096xf32, #tpu.memory_space<hbm>>
            %dma_start3A_249 = tpu.memref_slice %arg14[%multiple_of3A_234] : memref<8192xf32, #tpu.memory_space<vmem>> -> memref<4096xf32, #tpu.memory_space<vmem>>
            %dma_start3A_250 = tpu.memref_slice %arg2[%multiple_of3A_237] : memref<1048576xf32, #tpu.memory_space<hbm>> -> memref<4096xf32, #tpu.memory_space<hbm>>
            tpu.enqueue_dma source(%dma_start3A_250 : memref<4096xf32, #tpu.memory_space<hbm>>) target(%dma_start3A_249 : memref<4096xf32, #tpu.memory_space<vmem>>) target_semaphore(%arg20 : memref<!tpu.dma_semaphore, #tpu.memory_space<semaphore_mem>>)
            %dma_start3A_251 = tpu.memref_slice %arg15[%mul3A_245] : memref<16384xf32, #tpu.memory_space<vmem>> -> memref<8192xf32, #tpu.memory_space<vmem>>
            %dma_start3A_252 = tpu.memref_slice %arg4[%multiple_of3A_240] : memref<2097152xf32, #tpu.memory_space<hbm>> -> memref<8192xf32, #tpu.memory_space<hbm>>
            %dma_start3A_253 = tpu.memref_slice %arg15[%mul3A_245] : memref<16384xf32, #tpu.memory_space<vmem>> -> memref<8192xf32, #tpu.memory_space<vmem>>
            %dma_start3A_254 = tpu.memref_slice %arg4[%multiple_of3A_240] : memref<2097152xf32, #tpu.memory_space<hbm>> -> memref<8192xf32, #tpu.memory_space<hbm>>
            tpu.enqueue_dma source(%dma_start3A_254 : memref<8192xf32, #tpu.memory_space<hbm>>) target(%dma_start3A_253 : memref<8192xf32, #tpu.memory_space<vmem>>) target_semaphore(%arg20 : memref<!tpu.dma_semaphore, #tpu.memory_space<semaphore_mem>>)
            %dma_start3A_255 = tpu.memref_slice %arg16[%mul3A_247] : memref<24576xf32, #tpu.memory_space<vmem>> -> memref<12288xf32, #tpu.memory_space<vmem>>
            %dma_start3A_256 = tpu.memref_slice %arg3[%multiple_of3A_243] : memref<3145728xf32, #tpu.memory_space<hbm>> -> memref<12288xf32, #tpu.memory_space<hbm>>
            %dma_start3A_257 = tpu.memref_slice %arg16[%mul3A_247] : memref<24576xf32, #tpu.memory_space<vmem>> -> memref<12288xf32, #tpu.memory_space<vmem>>
            %dma_start3A_258 = tpu.memref_slice %arg3[%multiple_of3A_243] : memref<3145728xf32, #tpu.memory_space<hbm>> -> memref<12288xf32, #tpu.memory_space<hbm>>
            tpu.enqueue_dma source(%dma_start3A_258 : memref<12288xf32, #tpu.memory_space<hbm>>) target(%dma_start3A_257 : memref<12288xf32, #tpu.memory_space<vmem>>) target_semaphore(%arg20 : memref<!tpu.dma_semaphore, #tpu.memory_space<semaphore_mem>>)
          } else {
          }
        } else {
        }
        %select_n3A_124 = arith.select %ne3A, %div3A_117, %while3A_112 : i32
        %add3A_125 = vector.broadcast %add3A_115 : i32 to vector<16xi32>
        %add3A_126 = arith.addi %add3A_125, %iota3A : vector<16xi32>
        %ge3A = vector.broadcast %squeeze3A_31 : i32 to vector<16xi32>
        %ge3A_127 = arith.cmpi sge, %add3A_126, %ge3A : vector<16xi32>
        %lt3A_128 = vector.broadcast %squeeze3A_33 : i32 to vector<16xi32>
        %lt3A_129 = arith.cmpi slt, %add3A_126, %lt3A_128 : vector<16xi32>
        %and3A_130 = arith.andi %ge3A_127, %lt3A_129 : vector<16xi1>
        %mul3A_131 = arith.constant 4096 : i32
        %mul3A_132 = arith.muli %div3A_117, %mul3A_131 : i32
        %sub3A_133 = arith.subi %add3A_115, %mul3A_132 : i32
        %rem3A = arith.constant 2 : i32
        %rem3A_134 = arith.remsi %div3A_117, %rem3A : i32
        %mul3A_135 = arith.constant 4096 : i32
        %mul3A_136 = arith.muli %rem3A_134, %mul3A_135 : i32
        %add3A_137 = arith.addi %sub3A_133, %mul3A_136 : i32
        %add3A_138 = vector.broadcast %add3A_137 : i32 to vector<16xi32>
        %add3A_139 = arith.addi %add3A_138, %iota3A : vector<16xi32>
        %get3A_140 = arith.index_cast %add3A_137 : i32 to index
        %get3A_141 = tpu.vector_load %arg14[%get3A_140] {strides = array<i32>} : memref<8192xf32, #tpu.memory_space<vmem>>, vector<16xf32>,
        %mul3A_142 = arith.constant 2 : i32
        %mul3A_143 = vector.broadcast %mul3A_142 : i32 to vector<16xi32>
        %mul3A_144 = arith.muli %add3A_139, %mul3A_143 : vector<16xi32>
        %mul3A_145 = arith.constant 3 : i32
        %mul3A_146 = vector.broadcast %mul3A_145 : i32 to vector<16xi32>
        %mul3A_147 = arith.muli %add3A_139, %mul3A_146 : vector<16xi32>
        %gather3A = tpu.vector_load_idx %arg15[%mul3A_144] : memref<16384xf32, #tpu.memory_space<vmem>>[vector<16xi32>], vector<16xf32>,
        %add3A_148 = arith.constant 1 : i32
        %add3A_149 = vector.broadcast %add3A_148 : i32 to vector<16xi32>
        %add3A_150 = arith.addi %mul3A_144, %add3A_149 : vector<16xi32>
        %gather3A_151 = tpu.vector_load_idx %arg15[%add3A_150] : memref<16384xf32, #tpu.memory_space<vmem>>[vector<16xi32>], vector<16xf32>,
        %neg3A = arith.constant 0.000000e+00 : f32
        %neg3A_152 = vector.broadcast %neg3A : f32 to vector<16xf32>
        %neg3A_153 = arith.subf %neg3A_152, %get3A_141 : vector<16xf32>
        %mul3A_154 = arith.mulf %neg3A_153, %gather3A : vector<16xf32>
        %jit3A = arith.constant 0.000000e+00 : f32
        %broadcast_in_dim3A_155 = vector.broadcast %jit3A : f32 to vector<16xf32>
        %select_n3A_156 = arith.select %and3A_130, %mul3A_154, %broadcast_in_dim3A_155 : vector<16xi1>, vector<16xf32>
        %exp3A = math.exp %select_n3A_156 : vector<16xf32>
        %broadcast_in_dim3A_157 = arith.constant true
        %broadcast_in_dim3A_158 = vector.broadcast %broadcast_in_dim3A_157 : i1 to vector<16xi1>
        %masked_cumsum3A = tpu.scan <sum>, %select_n3A_156 masked %broadcast_in_dim3A_158 : vector<16xf32>, vector<16xi1> -> vector<16xf32>
        %add3A_159 = vector.broadcast %while3A_106 : f32 to vector<16xf32>
        %add3A_160 = arith.addf %add3A_159, %masked_cumsum3A : vector<16xf32>
        %sub3A_161 = arith.subf %add3A_160, %select_n3A_156 : vector<16xf32>
        %exp3A_162 = math.exp %sub3A_161 : vector<16xf32>
        %sub3A_163 = arith.constant 1.000000e+00 : f32
        %sub3A_164 = vector.broadcast %sub3A_163 : f32 to vector<16xf32>
        %sub3A_165 = arith.subf %sub3A_164, %exp3A : vector<16xf32>
        %mul3A_166 = arith.mulf %sub3A_165, %exp3A_162 : vector<16xf32>
        %jit3A_167 = arith.constant 0.000000e+00 : f32
        %broadcast_in_dim3A_168 = vector.broadcast %jit3A_167 : f32 to vector<16xf32>
        %select_n3A_169 = arith.select %and3A_130, %mul3A_166, %broadcast_in_dim3A_168 : vector<16xi1>, vector<16xf32>
        %slice3A_170 = vector.extract_strided_slice %masked_cumsum3A {offsets = [15], sizes = [1], strides = [1]} : vector<16xf32> to vector<1xf32>
        %squeeze3A_171 = vector.extract %slice3A_170[0] : f32 from vector<1xf32>
        %add3A_172 = arith.addf %while3A_106, %squeeze3A_171 : f32
        %gather3A_173 = tpu.vector_load_idx %arg16[%mul3A_147] : memref<24576xf32, #tpu.memory_space<vmem>>[vector<16xi32>], vector<16xf32>,
        %add3A_174 = arith.constant 1 : i32
        %add3A_175 = vector.broadcast %add3A_174 : i32 to vector<16xi32>
        %add3A_176 = arith.addi %mul3A_147, %add3A_175 : vector<16xi32>
        %gather3A_177 = tpu.vector_load_idx %arg16[%add3A_176] : memref<24576xf32, #tpu.memory_space<vmem>>[vector<16xi32>], vector<16xf32>,
        %add3A_178 = arith.constant 2 : i32
        %add3A_179 = vector.broadcast %add3A_178 : i32 to vector<16xi32>
        %add3A_180 = arith.addi %mul3A_147, %add3A_179 : vector<16xi32>
        %gather3A_181 = tpu.vector_load_idx %arg16[%add3A_180] : memref<24576xf32, #tpu.memory_space<vmem>>[vector<16xi32>], vector<16xf32>,
        %add3A_182 = arith.addf %while3A_107, %select_n3A_169 : vector<16xf32>
        %mul3A_183 = arith.mulf %select_n3A_169, %gather3A_151 : vector<16xf32>
        %add3A_184 = arith.addf %while3A_108, %mul3A_183 : vector<16xf32>
        %mul3A_185 = arith.mulf %select_n3A_169, %gather3A_173 : vector<16xf32>
        %add3A_186 = arith.addf %while3A_109, %mul3A_185 : vector<16xf32>
        %mul3A_187 = arith.mulf %select_n3A_169, %gather3A_177 : vector<16xf32>
        %add3A_188 = arith.addf %while3A_110, %mul3A_187 : vector<16xf32>
        %mul3A_189 = arith.mulf %select_n3A_169, %gather3A_181 : vector<16xf32>
        %add3A_190 = arith.addf %while3A_111, %mul3A_189 : vector<16xf32>
        scf.yield %add3A_172, %add3A_182, %add3A_184, %add3A_186, %add3A_188, %add3A_190, %select_n3A_124 : f32, vector<16xf32>, vector<16xf32>, vector<16xf32>, vector<16xf32>, vector<16xf32>, i32
      }
      %reduce_sum3A = arith.constant true
      %reduce_sum3A_52 = vector.broadcast %reduce_sum3A : i1 to vector<16xi1>
      %reduce_sum3A_53 = tpu.scan <sum>, %while3A_51#1 masked %reduce_sum3A_52 : vector<16xf32>, vector<16xi1> -> vector<16xf32>
      %reduce_sum3A_54 = vector.extract %reduce_sum3A_53[15] : f32 from vector<16xf32>
      %get3A_55 = arith.index_cast %scan3A_26 : i32 to index
      %get3A_56 = tpu.vector_load %arg12[%get3A_55] {strides = array<i32>} : memref<272xf32, #tpu.memory_space<vmem>>, vector<16xf32>,
      %get3A_57 = arith.index_cast %scan3A_26 : i32 to index
      %get3A_58 = tpu.vector_load %arg13[%get3A_57] {strides = array<i32>} : memref<272xf32, #tpu.memory_space<vmem>>, vector<16xf32>,
      %reduce_sum3A_59 = arith.constant true
      %reduce_sum3A_60 = vector.broadcast %reduce_sum3A_59 : i1 to vector<16xi1>
      %reduce_sum3A_61 = tpu.scan <sum>, %while3A_51#2 masked %reduce_sum3A_60 : vector<16xf32>, vector<16xi1> -> vector<16xf32>
      %reduce_sum3A_62 = vector.extract %reduce_sum3A_61[15] : f32 from vector<16xf32>
      %broadcast_in_dim3A_63 = vector.broadcast %reduce_sum3A_62 : f32 to vector<16xf32>
      %sub3A_64 = arith.subf %broadcast_in_dim3A_63, %get3A_56 : vector<16xf32>
      %max3A = arith.constant 0.000000e+00 : f32
      %max3A_65 = vector.broadcast %max3A : f32 to vector<16xf32>
      %max3A_66 = arith.maximumf %sub3A_64, %max3A_65 : vector<16xf32>
      %sub3A_67 = arith.subf %get3A_58, %get3A_56 : vector<16xf32>
      %div3A_68 = arith.divf %max3A_66, %sub3A_67 : vector<16xf32>
      %sub3A_69 = arith.constant 1.000000e+00 : f32
      %sub3A_70 = arith.subf %sub3A_69, %reduce_sum3A_54 : f32
      %add3A_71 = vector.broadcast %scan3A_26 : i32 to vector<16xi32>
      %add3A_72 = arith.addi %add3A_71, %broadcast_in_dim3A_3 : vector<16xi32>
      %broadcast_in_dim3A_73 = vector.broadcast %reduce_sum3A_54 : f32 to vector<16xf32>
      tpu.vector_store_idx %arg19[%add3A_72], %broadcast_in_dim3A_73 masked %eq3A_13 : memref<256xf32, #tpu.memory_space<vmem>>[vector<16xi32>], vector<16xf32>, vector<16xi1>
      %add3A_74 = vector.broadcast %scan3A_26 : i32 to vector<16xi32>
      %add3A_75 = arith.addi %add3A_74, %broadcast_in_dim3A_3 : vector<16xi32>
      tpu.vector_store_idx %arg18[%add3A_75], %div3A_68 masked %eq3A_13 : memref<256xf32, #tpu.memory_space<vmem>>[vector<16xi32>], vector<16xf32>, vector<16xi1>
      %eq3A_76 = arith.constant 0 : i32
      %eq3A_77 = vector.broadcast %eq3A_76 : i32 to vector<16xi32>
      %eq3A_78 = arith.cmpi eq, %iota3A, %eq3A_77 : vector<16xi32>
      %reduce_sum3A_79 = arith.constant true
      %reduce_sum3A_80 = vector.broadcast %reduce_sum3A_79 : i1 to vector<16xi1>
      %reduce_sum3A_81 = tpu.scan <sum>, %while3A_51#3 masked %reduce_sum3A_80 : vector<16xf32>, vector<16xi1> -> vector<16xf32>
      %reduce_sum3A_82 = vector.extract %reduce_sum3A_81[15] : f32 from vector<16xf32>
      %add3A_83 = arith.addf %reduce_sum3A_82, %sub3A_70 : f32
      %eq3A_84 = arith.constant 1 : i32
      %eq3A_85 = vector.broadcast %eq3A_84 : i32 to vector<16xi32>
      %eq3A_86 = arith.cmpi eq, %iota3A, %eq3A_85 : vector<16xi32>
      %reduce_sum3A_87 = arith.constant true
      %reduce_sum3A_88 = vector.broadcast %reduce_sum3A_87 : i1 to vector<16xi1>
      %reduce_sum3A_89 = tpu.scan <sum>, %while3A_51#4 masked %reduce_sum3A_88 : vector<16xf32>, vector<16xi1> -> vector<16xf32>
      %reduce_sum3A_90 = vector.extract %reduce_sum3A_89[15] : f32 from vector<16xf32>
      %add3A_91 = arith.addf %reduce_sum3A_90, %sub3A_70 : f32
      %reduce_sum3A_92 = arith.constant true
      %reduce_sum3A_93 = vector.broadcast %reduce_sum3A_92 : i1 to vector<16xi1>
      %reduce_sum3A_94 = tpu.scan <sum>, %while3A_51#5 masked %reduce_sum3A_93 : vector<16xf32>, vector<16xi1> -> vector<16xf32>
      %reduce_sum3A_95 = vector.extract %reduce_sum3A_94[15] : f32 from vector<16xf32>
      %add3A_96 = arith.addf %reduce_sum3A_95, %sub3A_70 : f32
      %broadcast_in_dim3A_97 = vector.broadcast %add3A_91 : f32 to vector<16xf32>
      %broadcast_in_dim3A_98 = vector.broadcast %add3A_96 : f32 to vector<16xf32>
      %select_n3A = arith.select %eq3A_86, %broadcast_in_dim3A_97, %broadcast_in_dim3A_98 : vector<16xi1>, vector<16xf32>
      %broadcast_in_dim3A_99 = vector.broadcast %add3A_83 : f32 to vector<16xf32>
      %select_n3A_100 = arith.select %eq3A_78, %broadcast_in_dim3A_99, %select_n3A : vector<16xi1>, vector<16xf32>
      %mul3A_101 = arith.constant 3 : i32
      %mul3A_102 = arith.muli %mul3A_101, %scan3A_26 : i32
      %add3A_103 = vector.broadcast %mul3A_102 : i32 to vector<16xi32>
      %add3A_104 = arith.addi %add3A_103, %iota3A : vector<16xi32>
      tpu.vector_store_idx %arg17[%add3A_104], %select_n3A_100 masked %lt3A_15 : memref<768xf32, #tpu.memory_space<vmem>>[vector<16xi32>], vector<16xf32>, vector<16xi1>
      scf.yield %while3A_51#6 : i32
    }
    %scan3A_22 = arith.constant 256 : i32
    "tpu.region"() ({
      %run_scoped3A = tpu.sem_alloc : memref<!tpu.dma_semaphore, #tpu.memory_space<semaphore_mem>>
      %dma_start3A = tpu.memref_slice %arg10[%multiple_of3A] : memref<8192xf32, #tpu.memory_space<hbm>> -> memref<256xf32, #tpu.memory_space<hbm>>
      %dma_start3A_26 = tpu.memref_slice %arg10[%multiple_of3A] : memref<8192xf32, #tpu.memory_space<hbm>> -> memref<256xf32, #tpu.memory_space<hbm>>
      tpu.enqueue_dma source(%arg19 : memref<256xf32, #tpu.memory_space<vmem>>) target(%dma_start3A_26 : memref<256xf32, #tpu.memory_space<hbm>>) target_semaphore(%run_scoped3A : memref<!tpu.dma_semaphore, #tpu.memory_space<semaphore_mem>>)
      %dma_wait3A = tpu.memref_slice %arg10[%multiple_of3A] : memref<8192xf32, #tpu.memory_space<hbm>> -> memref<256xf32, #tpu.memory_space<hbm>>
      %dma_wait3A_27 = tpu.memref_slice %arg10[%multiple_of3A] : memref<8192xf32, #tpu.memory_space<hbm>> -> memref<256xf32, #tpu.memory_space<hbm>>
      tpu.wait_dma2 semaphore(%run_scoped3A : memref<!tpu.dma_semaphore, #tpu.memory_space<semaphore_mem>>) src(%arg19 : memref<256xf32, #tpu.memory_space<vmem>>) dst(%dma_wait3A_27 : memref<256xf32, #tpu.memory_space<hbm>>)
      tpu.yield
    }) : () -> ()
    "tpu.region"() ({
      %run_scoped3A = tpu.sem_alloc : memref<!tpu.dma_semaphore, #tpu.memory_space<semaphore_mem>>
      %dma_start3A = tpu.memref_slice %arg9[%multiple_of3A] : memref<8192xf32, #tpu.memory_space<hbm>> -> memref<256xf32, #tpu.memory_space<hbm>>
      %dma_start3A_26 = tpu.memref_slice %arg9[%multiple_of3A] : memref<8192xf32, #tpu.memory_space<hbm>> -> memref<256xf32, #tpu.memory_space<hbm>>
      tpu.enqueue_dma source(%arg18 : memref<256xf32, #tpu.memory_space<vmem>>) target(%dma_start3A_26 : memref<256xf32, #tpu.memory_space<hbm>>) target_semaphore(%run_scoped3A : memref<!tpu.dma_semaphore, #tpu.memory_space<semaphore_mem>>)
      %dma_wait3A = tpu.memref_slice %arg9[%multiple_of3A] : memref<8192xf32, #tpu.memory_space<hbm>> -> memref<256xf32, #tpu.memory_space<hbm>>
      %dma_wait3A_27 = tpu.memref_slice %arg9[%multiple_of3A] : memref<8192xf32, #tpu.memory_space<hbm>> -> memref<256xf32, #tpu.memory_space<hbm>>
      tpu.wait_dma2 semaphore(%run_scoped3A : memref<!tpu.dma_semaphore, #tpu.memory_space<semaphore_mem>>) src(%arg18 : memref<256xf32, #tpu.memory_space<vmem>>) dst(%dma_wait3A_27 : memref<256xf32, #tpu.memory_space<hbm>>)
      tpu.yield
    }) : () -> ()
    %mul3A_23 = arith.constant 3 : i32
    %mul3A_24 = arith.muli %mul3A_23, %multiple_of3A : i32
    %multiple_of3A_25 = tpu.assume_multiple %mul3A_24, 8 : i32
    "tpu.region"() ({
      %run_scoped3A = tpu.sem_alloc : memref<!tpu.dma_semaphore, #tpu.memory_space<semaphore_mem>>
      %dma_start3A = tpu.memref_slice %arg8[%multiple_of3A_25] : memref<24576xf32, #tpu.memory_space<hbm>> -> memref<768xf32, #tpu.memory_space<hbm>>
      %dma_start3A_26 = tpu.memref_slice %arg8[%multiple_of3A_25] : memref<24576xf32, #tpu.memory_space<hbm>> -> memref<768xf32, #tpu.memory_space<hbm>>
      tpu.enqueue_dma source(%arg17 : memref<768xf32, #tpu.memory_space<vmem>>) target(%dma_start3A_26 : memref<768xf32, #tpu.memory_space<hbm>>) target_semaphore(%run_scoped3A : memref<!tpu.dma_semaphore, #tpu.memory_space<semaphore_mem>>)
      %dma_wait3A = tpu.memref_slice %arg8[%multiple_of3A_25] : memref<24576xf32, #tpu.memory_space<hbm>> -> memref<768xf32, #tpu.memory_space<hbm>>
      %dma_wait3A_27 = tpu.memref_slice %arg8[%multiple_of3A_25] : memref<24576xf32, #tpu.memory_space<hbm>> -> memref<768xf32, #tpu.memory_space<hbm>>
      tpu.wait_dma2 semaphore(%run_scoped3A : memref<!tpu.dma_semaphore, #tpu.memory_space<semaphore_mem>>) src(%arg17 : memref<768xf32, #tpu.memory_space<vmem>>) dst(%dma_wait3A_27 : memref<768xf32, #tpu.memory_space<hbm>>)
      tpu.yield
    }) : () -> ()
    return
  }
}

</mosaic_0001>

<sc_bundles>
// kernel: kernel.3.cloned.1.call-start
scs
__scs_entry_jumppad:
0x0: {  	(pc) =	sbr.rel $0x88, $3  }
0x1: {  	(tag) =	ssettag $0x0;
	lr =	simm.s32 $0x1  }
0x2: {  	[smem:$0x3F9B] =	sst lr;
	_ =	strace $0xD0000000  }
0x3: {  	_ = 	snop  }
0x4: {  	_ = 	snop  }
0x5: {  	_ = 	snop  }
0x6: {  	_ = 	snop  }
0x7: {  	_ = 	snop  }
__scs_overlays_trampoline_lowered:
0x8: {  	[smem:$0x3FAA] =	sst s0  }
0x9: {  	[smem:$0x3FAB] =	sst s1  }
0xa: {  	[smem:$0x3FAC] =	sst s2  }
0xb: {  	[smem:$0x3FAD] =	sst s3  }
0xc: {  	[smem:$0x3FAE] =	sst s4  }
0xd: {  	[smem:$0x3FAF] =	sst s5  }
0xe: {  	[smem:$0x3FB0] =	sst s6  }
0xf: {  	[smem:$0x3FB1] =	sst s7  }
0x10: {  	[smem:$0x3FB2] =	sst s8  }
0x11: {  	[smem:$0x3FB3] =	sst s9;
	s0 =	simm.s32 @!p0 $0x0  }
0x12: {  	s1 =	sld [smem:$0x3F99];
	s0 =	simm.s32 @p0 $0x1  }
0x13: {  	[smem:$0x3FB4] =	sst s0;
	s0 =	simm.s32 @!p1 $0x0  }
0x14: {  	s2 =	sld [smem:$0x3F98];
	s0 =	simm.s32 @p1 $0x1  }
0x15: {  	[smem:$0x3FB5] =	sst s0;
	s0 =	simm.s32 @!p2 $0x0  }
0x16: {  	s3 =	sld [smem:$0x3FDB];
	s0 =	simm.s32 @p2 $0x1  }
0x17: {  	s4 =	simm.s32 $0x1BF5;
	[smem:$0x3FB7] =	sst s0  }
0x18: {  	s0 =	sld [smem:$0x3F9A];
	_ =	swait.ge [sflag:s4], $0x0  }
0x19: {  	s7 =	sld [smem:$0x3F9B]  }
0x1a: {  	s8 =	sadd.s32 $0xFFFFE003, lr  }
0x1b: {  	s9 =	sadd.s32 $0xFFFFFEF7, lr;
	s5 =	simm.s32 $0xFFFFFFFF;
	p2 =	slt.u32 s8, $0xFFFFF086  }
0x1c: {  	p1 =	slt.u32 s9, $0xF7A;
	s5 =	simm.s32 @!p2 $0x0  }
0x1d: {  	s5 =	simm.s32 @p1 $0x1;
	p0 =	seq.s32 s7, s2  }
0x1e: {  	s7 =	smul.u32 @!p0 $0xF7A, s2;
	p2 =	seq.s32 @!p0 s5, $0x0  }
0x1f: {  	s9 =	smul.u32 $0xF7A, s1;
	s8 =	simm.s32 @!p0 $0x1BF5;
	p2 =	por !p2, p0  }
0x20: {  	[sflag:s8] =	ssyncset.s32 @!p0 $0xFFFFF086;
	s6 =	sadd.s32 @!p0 s3, s7;
	s7 =	simm.s32 @!p0 $0x108  }
0x21: {  	s3 =	sadd.s32 s3, s9;
	s6 =	sadd.s32 @!p0 $0x88, s6;
	s7 =	simm.s32 @p2 $0x1082  }
0x22: {  	[simem:s7], [sflag:s8] =	dma.local @!p0 [hbm:s6], $0xF7A  }
0x23: {  	s9 =	sor.u32 $0xD0000000, s2;
	s6 =	simm.s32 $0x108;
	_ =	swait.ge @!p0 [sflag:s8], $0x0  }
0x24: {  	s3 =	sadd.s32 $0x88, s3;
	s6 =	simm.s32 @!p1 $0x1082;
	[sflag:s4] =	ssyncset.s32 $0xFFFFF086  }
0x25: {  	[simem:s6], [sflag:s4] =	dma.local [hbm:s3], $0xF7A  }
0x26: {  	[smem:$0x3F9B] =	sst s1;
	(tag) =	ssettag s2;
	_ =	strace s9  }
0x27: {  	s1 =	sld [smem:$0x3FAB]  }
0x28: {  	s2 =	sld [smem:$0x3FAC]  }
0x29: {  	s4 =	sld [smem:$0x3FAE]  }
0x2a: {  	p0 =	seq.s32 s5, $0x0;
	s5 =	sld [smem:$0x3FAF]  }
0x2b: {  	s6 =	sld [smem:$0x3FB0]  }
0x2c: {  	s7 =	sld [smem:$0x3FB1]  }
0x2d: {  	s3 =	simm.s32 $0x108;
	s8 =	sld [smem:$0x3FB2]  }
0x2e: {  	s3 =	simm.s32 @!p0 $0x1082;
	s9 =	sld [smem:$0x3FB3]  }
0x2f: {  	lr =	sadd.s32 s0, s3;
	s0 =	sld [smem:$0x3FAA]  }
0x30: {  	s3 =	sld [smem:$0x3FAD]  }
0x31: {  	[smem:$0x3FB6] =	sst s10  }
0x32: {  	s10 =	sld [smem:$0x3FB4];
	_ =	sdelay $0x3  }
0x33: {  	p0 =	seq.s32 s10, $0x1;
	s10 =	sld [smem:$0x3FB6];
	_ =	sdelay $0x3  }
0x34: {  	[smem:$0x3FB6] =	sst s10  }
0x35: {  	s10 =	sld [smem:$0x3FB5];
	_ =	sdelay $0x3  }
0x36: {  	p1 =	seq.s32 s10, $0x1;
	s10 =	sld [smem:$0x3FB6];
	_ =	sdelay $0x3  }
0x37: {  	[smem:$0x3FB6] =	sst s10  }
0x38: {  	s10 =	sld [smem:$0x3FB7]  }
0x39: {  	_ = 	snop;
	(pc) =	sbr.ind lr, $3  }
0x3a: {  	_ = 	snop  }
0x3b: {  	_ = 	snop  }
0x3c: {  	p2 =	seq.s32 s10, $0x1;
	s10 =	sld [smem:$0x3FB6]  }
0x3d: {  	_ =	shalt  }
0x3e: {  	_ =	shalt  }
0x3f: {  	_ =	shalt  }
0x40: {  	_ =	shalt  }
0x41: {  	_ =	shalt  }
0x42: {  	_ =	shalt  }
0x43: {  	_ =	shalt  }
0x44: {  	_ =	shalt  }
0x45: {  	_ =	shalt  }
0x46: {  	_ =	shalt  }
0x47: {  	_ =	shalt  }
0x48: {  	_ =	shalt  }
0x49: {  	_ =	shalt  }
0x4a: {  	_ =	shalt  }
0x4b: {  	_ =	shalt  }
0x4c: {  	_ =	shalt  }
0x4d: {  	_ =	shalt  }
0x4e: {  	_ =	shalt  }
0x4f: {  	_ =	shalt  }
0x50: {  	_ =	shalt  }
0x51: {  	_ =	shalt  }
0x52: {  	_ =	shalt  }
0x53: {  	_ =	shalt  }
0x54: {  	_ =	shalt  }
0x55: {  	_ =	shalt  }
0x56: {  	_ =	shalt  }
0x57: {  	_ =	shalt  }
0x58: {  	_ =	shalt  }
0x59: {  	_ =	shalt  }
0x5a: {  	_ =	shalt  }
0x5b: {  	_ =	shalt  }
0x5c: {  	_ =	shalt  }
0x5d: {  	_ =	shalt  }
0x5e: {  	_ =	shalt  }
0x5f: {  	_ =	shalt  }
0x60: {  	_ =	shalt  }
0x61: {  	_ =	shalt  }
0x62: {  	_ =	shalt  }
0x63: {  	_ =	shalt  }
0x64: {  	_ =	shalt  }
0x65: {  	_ =	shalt  }
0x66: {  	_ =	shalt  }
0x67: {  	_ =	shalt  }
0x68: {  	_ =	shalt  }
0x69: {  	_ =	shalt  }
0x6a: {  	_ =	shalt  }
0x6b: {  	_ =	shalt  }
0x6c: {  	_ =	shalt  }
0x6d: {  	_ =	shalt  }
0x6e: {  	_ =	shalt  }
0x6f: {  	_ =	shalt  }
0x70: {  	_ =	shalt  }
0x71: {  	_ =	shalt  }
0x72: {  	_ =	shalt  }
0x73: {  	_ =	shalt  }
0x74: {  	_ =	shalt  }
0x75: {  	_ =	shalt  }
0x76: {  	_ =	shalt  }
0x77: {  	_ =	shalt  }
0x78: {  	_ =	shalt  }
0x79: {  	_ =	shalt  }
0x7a: {  	_ =	shalt  }
0x7b: {  	_ =	shalt  }
0x7c: {  	_ =	shalt  }
0x7d: {  	_ =	shalt  }
0x7e: {  	_ =	shalt  }
0x7f: {  	_ =	shalt  }
0x80: {  	_ =	shalt  }
0x81: {  	_ =	shalt  }
0x82: {  	_ =	shalt  }
0x83: {  	_ =	shalt  }
0x84: {  	_ =	shalt  }
0x85: {  	_ =	shalt  }
0x86: {  	_ =	shalt  }
0x87: {  	_ =	shalt  }
.Lfunc_end0:
.L_simem_size_0:
called_computation_lowered:
.L_overlay_start_0:
0x88: {  	s2 =	sld [smem:$0x3FD9]  }
0x89: {  	s3 =	sld [smem:$0x3FFE];
	_ =	sdelay $0x1  }
0x8a: {  	s1 =	srdreg.scid  }
0x8b: {  	s0 =	sand.u32 $0x1, s1  }
0x8c: {  	s14 =	sshll.u32 s0, $0xA;
	s2 =	sadd.s32 s3, s2  }
0x8d: {  	s2 =	sadd.s32 s2, s14  }
0x8e: {  	[smem:$0x3FC2] =	sst s2  }
0x8f: {  	_ = 	snop  }
0x90: {  	s2 =	sld [smem:$0x3FD0]  }
0x91: {  	s15 =	sld [smem:$0x3FC9]  }
0x92: {  	s4 =	sld [smem:$0x3FC5]  }
0x93: {  	s6 =	simm.s32 $0xA;
	s7 =	simm.s32 $0x10;
	s5 =	sld [smem:$0x3FC4]  }
0x94: {  	[smem:s7], [sflag:s6] =	dma.local [hbm:s2], $0x1  }
0x95: {  	_ =	swait.eq [sflag:s6], $0x1  }
0x96: {  	s16 =	sld [smem:$0x10];
	[sflag:s6] =	ssyncset.done $0x0  }
0x97: {  	s17 =	sld [smem:$0x11];
	[sflag:s6] =	ssyncadd.s32 $0xFFFFFFFF  }
0x98: {  	s18 =	sld [smem:$0x12];
	(tm) =	ssettm $0x1  }
0x99: {  	s8 =	sld [smem:$0x3FFB];
	_ =	sdelay $0x3  }
0x9a: {  	_ =	strace s8  }
0x9b: {  	s8 =	sld [smem:$0x3FFC];
	_ =	sdelay $0x3  }
0x9c: {  	_ =	strace s8  }
0x9d: {  	s8 =	sld [smem:$0x3FFD];
	_ =	sdelay $0x3  }
0x9e: {  	_ =	strace s8  }
0x9f: {  	_ =	strace $0x8FFFFFFF  }
0xa0: {  	s19 =	sld [smem:$0x3FDB];
	_ =	sdelay $0x1  }
0xa1: {  	s9 =	simm.s32 $_scs_section_size  }
0xa2: {  	s10 =	simm.s32 $_size__tile_overlayer_lowered;
	s11 =	simm.s32 $_tile_overlayer_lowered  }
0xa3: {  	s22 =	simm.s32 $0x1BFF;
	s21 =	sshll.u32 s11, $0x1;
	s8 =	sadd.s32 s9, s19  }
0xa4: {  	s12 =	simm.s32 $0x0;
	s20 =	sshll.u32 s10, $0x1;
	s10 =	sadd.s32 s21, s8  }
0xa5: {  	[timem:s12], [sflag:s22] =	dma.local [hbm:s10], s20  }
0xa6: {  	_ =	swait.ge [sflag:s22], s20  }
0xa7: {  	s9 =	ssub.s32 $0x0, s20;
	[sflag:s22] =	ssyncset.done $0x0  }
0xa8: {  	[sflag:s22] =	ssyncadd.s32 s9;
	_ =	sdelay $0x1  }
0xa9: {  	s23 =	simm.s32 $0x1B8B  }
0xaa: {  	_ =	swait.ge [sflag:s23], $0x1  }
0xab: {  	[sflag:s23] =	ssyncset.done $0x0  }
0xac: {  	s25 =	simm.s32 $0x1B8E;
	s24 =	sld [smem:$0x3FFE];
	[sflag:s23] =	ssyncadd.s32 $0xFFFFFFFF  }
0xad: {  	s26 =	simm.s32 $execute0_lowered;
	[smem:$0x3FD2] =	sst s25  }
0xae: {  	s10 =	sshll.u32 s26, $0x1;
	_ =	strace $0x80000046;
	[dreg:$0x1] =	wrdreg $0xFFFFFFFF  }
0xaf: {  	s28 =	simm.s32 $_size_execute0_lowered;
	s8 =	sadd.s32 s8, s10;
	[dreg:$0x0] =	wrdreg $0x0  }
0xb0: {  	s10 =	sshll.u32 s28, $0x1;
	[dreg:$0x2] =	wrdreg s8  }
0xb1: {  	[dreg:$0x3] =	wrdreg s10  }
0xb2: {  	[dreg:$0x4] =	wrdreg $0xC0  }
0xb3: {  	_ =	task [dreg:s12], $0x5FFFF  }
0xb4: {  	[dreg:$0x1] =	wrdreg $0xFFFFFFFF  }
0xb5: {  	[dreg:$0x0] =	wrdreg $0x60  }
0xb6: {  	[dreg:$0x2] =	wrdreg s15  }
0xb7: {  	[dreg:$0x3] =	wrdreg s24  }
0xb8: {  	[dreg:$0x4] =	wrdreg s4  }
0xb9: {  	[dreg:$0x5] =	wrdreg s5  }
0xba: {  	[dreg:$0x6] =	wrdreg s16  }
0xbb: {  	[dreg:$0x7] =	wrdreg s17  }
0xbc: {  	[dreg:$0x8] =	wrdreg s18  }
0xbd: {  	[dreg:$0x9] =	wrdreg $0x9  }
0xbe: {  	_ =	task.clear_ibuf [dreg:s12], $0xAFFFF;
	_ =	strace $0x90000046  }
0xbf: {  	s29 =	simm.s32 $0x9;
	_ =	strace $0x80000048  }
0xc0: {  	_ =	swait.ge [sflag:s29], $0x1  }
0xc1: {  	[sflag:s29] =	ssyncadd.s32 $0xFFFFFFFF  }
0xc2: {  	_ =	strace $0x90000048  }
0xc3: {  	_ =	sfence  }
0xc4: {  	s30 =	sld [smem:$0x0];
	_ =	sdelay $0x2  }
0xc5: {  	s31 =	sshll.u32 s1, $0xD;
	s1 =	sshrl.u32 s1, $0x2  }
0xc6: {  	s3 =	sand.u32 $0x4000, s31;
	s1 =	sadd.s32 s1, s30  }
0xc7: {  	s0 =	sor.u32 s3, s0;
	s1 =	sshll.u32 s1, $0x11  }
0xc8: {  	s0 =	sor.u32 s1, s0  }
0xc9: {  	s0 =	sadd.s32 $0x8F2B, s0  }
0xca: {  	[sflag:s0] =	ssyncadd.remote.s32 $0x1  }
0xcb: {  	_ =	sfence.sel $0xFFFF  }
0xcc: {  	[dreg:$0x0] =	wrdreg $0xFFFFFFFF;
	(pc) =	sbr.abs _section_cstart, $3  }
0xcd: {  	[dreg:$0x1] =	wrdreg $0xFFFFFFFF  }
0xce: {  	_ =	task.clear_ibuf [dreg:s12], $0x2FFFF;
	_ =	strace $0x9FFFFFFF  }
0xcf: {  	(tm) =	ssettm $0x7FFFFFFF  }
tec
execute0_lowered:
.L_overlay_start_1:
0x0: {  	(tag) =	ssettag $0x1  }
0x1: {  	s0 =	rddreg [dreg:$0x0]  }
0x2: {  	s1 =	rddreg [dreg:$0x1]  }
0x3: {  	s2 =	rddreg [dreg:$0x2]  }
0x4: {  	s6 =	rddreg [dreg:$0x3]  }
0x5: {  	s7 =	rddreg [dreg:$0x4]  }
0x6: {  	s8 =	rddreg [dreg:$0x5]  }
0x7: {  	s9 =	rddreg [dreg:$0x6];
	s4 =	srdreg.scid  }
0x8: {  	s14 =	simm.s32 $0x0;
	s3 =	stileid.u32;
	s16 =	simm.s32 $0x2480  }
0x9: {  	s17 =	simm.s32 $0x6480;
	s18 =	simm.s32 $0xC880;
	s10 =	sand.u32 $0x1, s4  }
0xa: {  	s19 =	simm.s32 $0xC780;
	s5 =	sshll.u32 s3, $0x9;
	s11 =	sshll.u32 s10, $0x8  }
0xb: {  	[smem:$0x7FF] =	sst s14;
	s4 =	sadd.s32 $0x1000C00, s1;
	s11 =	sor.u32 s11, s5  }
0xc: {  	_ =	strace $0x80000047;
	s10 =	ssub.s32 $0x2, s10;
	s12 =	sshrl.u32 s11, $0x3  }
0xd: {  	s5 =	sadd.s32 $0x1060C00, s1;
	s13 =	sshrl.u32 s10, $0x1;
	s25 =	sadd.s32 s2, s12  }
0xe: {  	s11 =	smul.u32 $0x3, s11;
	s26 =	sadd.s32 s6, s12;
	[dreg:$0xa] =	wrdreg s25  }
0xf: {  	s10 =	ssub.s32 s10, s13;
	s28 =	sadd.s32 s9, s12;
	[dreg:$0xb] =	wrdreg s26  }
.Ltmp0:
0x10: {  	s30 =	sadd.s32 s8, s12;
	[dreg:$0xc] =	wrdreg s28;
	(pc) =	sbr.rel .LBB2_1-.Ltmp0, $4  }
0x11: {  	s1 =	sadd.s32 s12, s1;
	s31 =	smax.u32 s10, $0x1;
	[dreg:$0xd] =	wrdreg s30  }
0x12: {  	s1 =	sadd.s32 $0xC00, s1;
	s29 =	sshrl.u32 s11, $0x3;
	[dreg:$0xf] =	wrdreg s31  }
0x13: {  	s20 =	simm.s32 $0xC480;
	[dreg:$0x9] =	wrdreg s1;
	s1 =	sadd.s32 s7, s29  }
0x14: {  	v0 =	vlaneseq.u32;
	s13 =	simm.s32 $0x2;
	s2 =	simm.s32 $0x0;
	[dreg:$0xe] =	wrdreg s1  }
.LBB2_14:
0x15: {  	s14 =	simm.s32 $0x0;
	s1 =	rddreg [dreg:$0xc]  }
0x16: {  	[hbm4b:s1+s14] =	stream.linear.scatter [tilespmem:s18], [sflag:$0x2], $0x100, $0x38;
	[tilespmem:$0xC980] =	vst v63  }
0x17: {  	_ =	swait.ge [sflag:s13], $0x100  }
0x18: {  	[sflag:s13] =	ssyncset.done $0x0  }
0x19: {  	s29 =	rddreg [dreg:$0xd];
	[sflag:s13] =	ssyncadd.s32 $0xFFFFFF00  }
0x1a: {  	[hbm4b:s29+s14] =	stream.linear.scatter [tilespmem:s19], [sflag:$0x2], $0x100, $0x38;
	[tilespmem:$0xC980] =	vst v63  }
0x1b: {  	_ =	swait.ge [sflag:s13], $0x100  }
0x1c: {  	[sflag:s13] =	ssyncset.done $0x0  }
0x1d: {  	s30 =	rddreg [dreg:$0xe];
	[sflag:s13] =	ssyncadd.s32 $0xFFFFFF00  }
0x1e: {  	[hbm4b:s30+s14] =	stream.linear.scatter [tilespmem:s20], [sflag:$0x2], $0x300, $0x38;
	[tilespmem:$0xC980] =	vst v63  }
0x1f: {  	_ =	swait.ge [sflag:s13], $0x300  }
0x20: {  	s2 =	rddreg [dreg:$0x10]  }
0x21: {  	s31 =	rddreg [dreg:$0xf];
	s2 =	sadd.s32 $0x1, s2  }
0x22: {  	p0 =	sne.s32 s2, s31  }
.Ltmp1:
0x23: {  	_ = 	snop;
	(pc) =	sbr.rel @!p0 .LBB2_15-.Ltmp1, $3  }
0x24: {  	_ =	sdelay $0x1  }
0x25: {  	[sflag:s13] =	ssyncset.done $0x0  }
0x26: {  	[sflag:s13] =	ssyncadd.s32 $0xFFFFFD00  }
.LBB2_1:
0x27: {  	[dreg:$0x10] =	wrdreg s2  }
0x28: {  	s1 =	rddreg [dreg:$0x9]  }
0x29: {  	[tilespmem:s14], [sflag:$0x2] =	stream.linear.gather [hbm4b:s1+s14], $0x118, $0x38;
	[tilespmem:$0xC980] =	vst v63  }
0x2a: {  	_ =	swait.ge [sflag:s13], $0x118  }
0x2b: {  	[sflag:s13] =	ssyncset.done $0x0  }
0x2c: {  	s28 =	simm.s32 $0x180;
	s26 =	rddreg [dreg:$0xa];
	[sflag:s13] =	ssyncadd.s32 $0xFFFFFEE8  }
0x2d: {  	[tilespmem:s28], [sflag:$0x2] =	stream.linear.gather [hbm4b:s26+s14], $0x100, $0x38;
	[tilespmem:$0xC980] =	vst v63  }
0x2e: {  	_ =	swait.ge [sflag:s13], $0x100  }
0x2f: {  	[sflag:s13] =	ssyncset.done $0x0  }
0x30: {  	s30 =	simm.s32 $0x300;
	s29 =	rddreg [dreg:$0xb];
	[sflag:s13] =	ssyncadd.s32 $0xFFFFFF00  }
0x31: {  	[tilespmem:s30], [sflag:$0x2] =	stream.linear.gather [hbm4b:s29+s14], $0x100, $0x38;
	[tilespmem:$0xC980] =	vst v63  }
0x32: {  	_ =	swait.ge [sflag:s13], $0x100  }
0x33: {  	[sflag:s13] =	ssyncset.done $0x0  }
0x34: {  	[sflag:s13] =	ssyncadd.s32 $0xFFFFFF00  }
0x35: {  	v1 =	vld [tilespmem:$0x100];
	_ =	sdelay $0x4  }
0x36: {  	(v2sf) =	vpush v1, $0x0;
	_ =	sdelay $0xb  }
.Ltmp2:
0x37: {  	_ = 	snop;
	(pc) =	sbr.rel .LBB2_2-.Ltmp2, $3  }
0x38: {  	_ =	sdelay $0x1  }
0x39: {  	s31 =	spop (v2sf)  }
0x3a: {  	s22 =	simm.s32 $0x0;
	s1 =	simm.s32 $0xFFFFFFFF;
	[dreg:$0x8] =	wrdreg s31  }
.LBB2_3:
0x3b: {  	v1 =	vimm.f32 $0.0e+00  }
0x3c: {  	v3 =	vimm.f32 $0.0e+00;
	v4 =	vimm.f32 $0.0e+00;
	v5 =	vimm.f32 $0.0e+00  }
.LBB2_13:
0x3d: {  	(xrf2) =	vadd.scan.msk.f32 $0xffff, v2  }
0x3e: {  	(xrf2) =	vadd.scan.msk.f32 $0xffff, v1  }
0x3f: {  	(xrf2) =	vadd.scan.msk.f32 $0xffff, v3  }
0x40: {  	(xrf2) =	vadd.scan.msk.f32 $0xffff, v4  }
0x41: {  	(xrf2) =	vadd.scan.msk.f32 $0xffff, v5;
	_ =	sdelay $0x5  }
0x42: {  	v1, _, _ =	vpop (xrf2)  }
0x43: {  	v2, _, _ =	vpop (xrf2)  }
0x44: {  	(v2sf) =	vpush v1, $0xF;
	v3, _, _ =	vpop (xrf2)  }
0x45: {  	v4, _, _ =	vpop (xrf2);
	(v2sf) =	vpush v3, $0xF  }
0x46: {  	(v2sf) =	vpush v4, $0xF;
	v3, _, _ =	vpop (xrf2)  }
0x47: {  	v60 =	vld [tilespmem:s22+$0x180];
	(v2sf) =	vpush v3, $0xF  }
0x48: {  	v3 =	vld [tilespmem:s22+$0x300];
	_ =	sdelay $0x4  }
0x49: {  	v3 =	vsub.f32 v3, v60;
	_ =	sdelay $0x1  }
0x4a: {  	(erf) = vrcp.f32 v3;
	_ =	sdelay $0x3  }
0x4b: {  	s2 =	spop (v2sf)  }
0x4c: {  	s7 =	smul.u32 $0x3, s22;
	v2 =	vbroadcast v2, $0xF;
	s3 =	spop (v2sf)  }
0x4d: {  	v3 =	vmov s22;
	s2 =	ssub.f32 $1.000000000e+00, s2;
	s6 =	spop (v2sf)  }
0x4e: {  	v2 =	vsub.f32 v2, v60;
	s22 =	sadd.s32 $0x1, s22;
	s8 =	spop (v2sf)  }
0x4f: {  	v61 =	vadd.s32 s7, v0;
	p0 =	sne.s32 s22, $0x100;
	s31 =	sadd.f32 s8, s2  }
.Ltmp3:
0x50: {  	v1 =	vbroadcast v1, $0xF;
	v2 =	vmax.f32 v2, $0.0e+00;
	s3 =	sadd.f32 s3, s2;
	v62 =	vpop (erf);
	(pc) =	sbr.rel @!p0 .LBB2_14-.Ltmp3, $4  }
0x51: {  	vm0 =	veq.s32 v0, $0x0;
	s2 =	sadd.f32 s6, s2;
	v2 =	vmul.f32 v62, v2;
	v63 =	vmov s31  }
0x52: {  	vm15 =	veq.s32 v0, $0x1;
	[tilespmem:v3+s18+$0x0] =	vst.idx.msk $0x1, v1;
	v1 =	vsel vm0, s3, v63  }
0x53: {  	[tilespmem:v3+s19+$0x0] =	vst.idx.msk $0x1, v2;
	v1 =	vsel vm15, s2, v1  }
0x54: {  	[tilespmem:v61+s20+$0x0] =	vst.idx.msk $0x7, v1  }
.LBB2_2:
0x55: {  	v1 =	vld [tilespmem:s22+$0x0];
	_ =	sdelay $0x4  }
0x56: {  	(v2sf) =	vpush v1, $0x0;
	_ =	sdelay $0x3  }
0x57: {  	(v2sf) =	vpush v1, $0x1;
	_ =	sdelay $0xa  }
0x58: {  	s2 =	spop (v2sf)  }
0x59: {  	s6 =	sshra.s32 s2, $0x1F  }
0x5a: {  	s6 =	sshrl.u32 s6, $0x1C  }
0x5b: {  	s2 =	sadd.s32 s6, s2  }
0x5c: {  	s31 =	spop (v2sf);
	s24 =	sand.u32 $0xFFFFFFF0, s2  }
0x5d: {  	s2 =	ssub.s32 s31, s24  }
0x5e: {  	s2 =	sadd.s32 $0xF, s2  }
0x5f: {  	p0 =	slt.s32 s2, $0x10  }
.Ltmp4:
0x60: {  	_ = 	snop;
	(pc) =	sbr.rel @p0 .LBB2_3-.Ltmp4, $2  }
0x61: {  	_ =	sdelay $0x2  }
0x62: {  	v2 =	vimm.f32 $0.0e+00  }
0x63: {  	s6 =	sshra.s32 s24, $0x1F  }
0x64: {  	s6 =	sshrl.u32 s6, $0x14  }
0x65: {  	s7 =	sshra.s32 s2, $0x1F;
	s6 =	sadd.s32 s6, s24  }
0x66: {  	s23 =	sshrl.u32 s7, $0x1C;
	s25 =	sshra.s32 s6, $0xC  }
0x67: {  	p1 =	por $0x0, $0x0;
	s26 =	sadd.s32 s23, s2;
	p2 =	seq.s32 s25, s1  }
0x68: {  	s23 =	simm.f32 $0.0e+00;
	s29 =	sshra.s32 s26, $0x4;
	p0 =	sgt.s32 @!p2 s1, $0xFFFFFFFF  }
0x69: {  	s6 =	sadd.s32 $0xFFFFFFFF, s29;
	s30 =	sshrl.u32 s25, $0x1F;
	p3 =	por p0, p2  }
0x6a: {  	p4 =	sne.s32 s6, $0x0;
	s28 =	sadd.s32 s30, s25;
	s1 =	sshrl.u32 @!p3 s25, $0x1F  }
.Ltmp5:
0x6b: {  	s2 =	sshll.u32 @!p3 s25, $0x9;
	s1 =	sadd.s32 @!p3 s1, s25;
	(pc) =	sbr.rel @!p4 .LBB2_5-.Ltmp5, $4  }
0x6c: {  	v8 =	vbroadcast v1, $0x0;
	v9 =	vbroadcast v1, $0x1;
	p0 =	por $0x0, $0x0;
	s2 =	sand.u32 @!p3 $0x1FFFFE00, s2;
	s1 =	sand.u32 @!p3 $0xFFFFFFFE, s1  }
0x6d: {  	v1 =	vor.u32 s24, v0;
	s14 =	smul.u32 @!p3 $0x3000, s25;
	s31 =	sadd.s32 @!p3 s0, s2;
	s8 =	ssub.s32 @!p3 s25, s1  }
0x6e: {  	vm0 =	vge.s32 v1, v8;
	vm1 =	vlt.s32 v1, v9;
	s1 =	sshll.u32 @!p3 s25, $0xA;
	s2 =	sshll.u32 @!p3 s8, $0xE;
	s9 =	sshll.u32 @!p3 s8, $0xF  }
0x6f: {  	v1 =	vimm.f32 $0.0e+00;
	vm0 =	vmmov vm0;
	vm1 =	vmmov vm1;
	s7 =	sand.u32 @!p3 $0x1FFFFC00, s1;
	s2 =	sshra.s32 @!p3 s2, $0x2;
	s1 =	sshra.s32 @!p3 s9, $0x2  }
0x70: {  	s8 =	smul.u32 @!p3 $0xC000, s8;
	s7 =	sadd.s32 @!p3 s5, s7;
	s9 =	sshrl.u32 @!p3 s14, $0x3  }
0x71: {  	s6 =	sadd.s32 $0xFFFFFFFF, s6;
	s10 =	sand.u32 $0xFFFFFFFE, s28;
	s2 =	sor.u32 @!p3 $0x480, s2  }
0x72: {  	s11 =	simm.s32 @!p3 $0x0;
	s29 =	sadd.s32 $0x10, s24;
	s1 =	sadd.s32 @!p3 $0x2480, s1  }
0x73: {  	s21 =	sshll.u32 s25, $0xC;
	p4 =	por p2, p2;
	s9 =	sadd.s32 @!p3 s4, s9  }
0x74: {  	[tilespmem:s2], [sflag:$0x1] =	stream.linear.gather @!p3 [hbm4b:s31+s11], $0x1000, $0x38;
	[tilespmem:$0xC980] =	vst v63  }
0x75: {  	p5 =	sne.s32 s6, $0x0;
	s15 =	ssub.s32 s25, s10;
	s26 =	sshra.s32 s29, $0x1F  }
0x76: {  	[tilespmem:s1], [sflag:$0x1] =	stream.linear.gather @!p3 [hbm4b:s7+s11], $0x2000, $0x38;
	[tilespmem:$0xC980] =	vst v63  }
0x77: {  	s8 =	sshra.s32 @!p3 s8, $0x2;
	s2 =	sshll.u32 s15, $0xC;
	s7 =	sshrl.u32 s26, $0x14  }
0x78: {  	s8 =	sadd.s32 @!p3 $0x6480, s8;
	s1 =	ssub.s32 s2, s21;
	s30 =	sadd.s32 s7, s29  }
0x79: {  	[tilespmem:s8], [sflag:$0x1] =	stream.linear.gather @!p3 [hbm4b:s9+s11], $0x3000, $0x38;
	[tilespmem:$0xC980] =	vst v63  }
0x7a: {  	s15 =	simm.s32 @!p2 $0x1;
	s1 =	sadd.s32 s1, s24;
	s11 =	sshra.s32 s30, $0xC  }
0x7b: {  	s26 =	sand.u32 $0xFFFFFF80, s1;
	s9 =	sadd.s32 @!p4 $0x1, s25;
	_ =	swait.ge @!p4 [sflag:s15], $0x1000  }
0x7c: {  	p2 =	seq.s32 s11, s25;
	s2 =	sshrl.u32 s11, $0x1F;
	s10 =	sshll.u32 @!p4 s9, $0xC  }
0x7d: {  	[sflag:s15] =	ssyncset.done @!p4 $0x0;
	p0 =	sgt.s32 @!p2 s25, $0xFFFFFFFF;
	s28 =	sadd.s32 s2, s11  }
0x7e: {  	[sflag:s15] =	ssyncadd.s32 @!p4 $0xFFFFF000;
	p3 =	por p0, p2;
	p0 =	por $0x1, $0x1  }
0x7f: {  	_ =	swait.ge @!p4 [sflag:s15], $0x2000;
	s2 =	sshrl.u32 @!p3 s11, $0x1F;
	s7 =	sshll.u32 @!p3 s11, $0x9  }
0x80: {  	s14 =	smul.u32 @!p3 $0x3000, s11;
	[sflag:s15] =	ssyncset.done @!p4 $0x0;
	s2 =	sadd.s32 @!p3 s2, s11  }
.Ltmp6:
0x81: {  	s7 =	sand.u32 @!p3 $0x1FFFFE00, s7;
	[sflag:s15] =	ssyncadd.s32 @!p4 $0xFFFFE000;
	(pc) =	sbr.rel @!p5 .LBB2_7-.Ltmp6, $4  }
0x82: {  	s2 =	sand.u32 @!p3 $0xFFFFFFFE, s2;
	s31 =	sadd.s32 @!p3 s0, s7;
	_ =	swait.ge @!p4 [sflag:s15], $0x3000  }
0x83: {  	vm2 =	vmmov vm0;
	v2 =	vor.u32 s29, v0;
	s8 =	ssub.s32 @!p3 s11, s2;
	s2 =	sshll.u32 @!p3 s11, $0xA;
	s25 =	rddreg [dreg:$0x8]  }
0x84: {  	vm3 =	vmmov vm1;
	vm4 =	vge.s32 v2, v8;
	vm5 =	vlt.s32 v2, v9;
	s30 =	sshll.u32 @!p3 s8, $0xE;
	s12 =	sshll.u32 @!p3 s8, $0xF;
	s7 =	sand.u32 @!p3 $0x1FFFFC00, s2  }
0x85: {  	vm0 =	vmmov vm4;
	vm1 =	vmmov vm5;
	v13 =	vor.u32 s1, v0;
	s2 =	sshra.s32 @!p3 s30, $0x2;
	s1 =	sshra.s32 @!p3 s12, $0x2;
	p6 =	sge.s32 @!p4 s10, s25  }
0x86: {  	p1 =	por p6, p4  }
0x87: {  	[sflag:s15] =	ssyncset.done @!p4 $0x0;
	s8 =	smul.u32 @!p3 $0xC000, s8;
	s12 =	sshrl.u32 @!p1 s9, $0x1F  }
0x88: {  	s7 =	sadd.s32 @!p3 s5, s7;
	s25 =	sshll.u32 @!p1 s9, $0xA;
	s12 =	sadd.s32 @!p1 s12, s9  }
0x89: {  	s30 =	smul.u32 @!p1 $0x3000, s9;
	s3 =	simm.s32 @!p1 $0x0;
	s12 =	sand.u32 @!p1 $0xFFFFFFFE, s12  }
0x8a: {  	[sflag:s15] =	ssyncadd.s32 @!p4 $0xFFFFD000;
	s10 =	sshrl.u32 @!p1 s10, $0x3;
	s9 =	ssub.s32 @!p1 s9, s12  }
0x8b: {  	s25 =	sand.u32 @!p1 $0x1FFFFC00, s25;
	s10 =	sadd.s32 @!p1 s0, s10;
	s12 =	sshll.u32 @!p1 s9, $0xE  }
0x8c: {  	v3 =	vmul.u32 $0x3, v13;
	s25 =	sadd.s32 @!p1 s5, s25;
	s15 =	sshll.u32 @!p1 s9, $0xF;
	s12 =	sshra.s32 @!p1 s12, $0x2  }
0x8d: {  	s9 =	smul.u32 @!p1 $0xC000, s9;
	s15 =	sshra.s32 @!p1 s15, $0x2;
	s12 =	sor.u32 @!p1 $0x480, s12  }
0x8e: {  	v2 =	vadd.s32 $0x2, v3;
	[tilespmem:s12], [sflag:$0x1] =	stream.linear.gather @!p1 [hbm4b:s10+s3], $0x1000, $0x38;
	[tilespmem:$0xC980] =	vst v63  }
0x8f: {  	s9 =	sshra.s32 @!p1 s9, $0x2;
	s10 =	sshrl.u32 @!p1 s30, $0x3;
	s12 =	sadd.s32 @!p1 $0x2480, s15  }
0x90: {  	v6 =	vshll.u32 v13, $0x1;
	v4 =	vadd.s32 $0x1, v3;
	[tilespmem:s12], [sflag:$0x1] =	stream.linear.gather @!p1 [hbm4b:s25+s3], $0x2000, $0x38;
	[tilespmem:$0xC980] =	vst v63  }
0x91: {  	s6 =	sadd.s32 $0xFFFFFFFF, s6;
	v5 =	vor.u32 $0x1, v6;
	s9 =	sadd.s32 @!p1 $0x6480, s9;
	s10 =	sadd.s32 @!p1 s4, s10  }
0x92: {  	[tilespmem:s9], [sflag:$0x1] =	stream.linear.gather @!p1 [hbm4b:s10+s3], $0x3000, $0x38;
	[tilespmem:$0xC980] =	vst v63  }
0x93: {  	s2 =	sor.u32 @!p3 $0x480, s2;
	s21 =	sshll.u32 s11, $0xC;
	s1 =	sadd.s32 @!p3 $0x2480, s1;
	v2 =	vld.idx.msk [tilespmem:v2+s17+$0x0], $0xffff  }
0x94: {  	p5 =	sne.s32 s6, $0x0;
	p4 =	por p2, p2;
	s15 =	sand.u32 $0xFFFFFFFE, s28;
	v3 =	vld.idx.msk [tilespmem:v3+s17+$0x0], $0xffff  }
0x95: {  	s30 =	simm.f32 $0.0e+00;
	s12 =	simm.s32 @!p3 $0x0;
	s3 =	sshra.s32 @!p3 s8, $0x2;
	v4 =	vld.idx.msk [tilespmem:v4+s17+$0x0], $0xffff  }
0x96: {  	s8 =	sshrl.u32 @!p3 s14, $0x3;
	s14 =	sand.u32 $0x70, s24;
	s10 =	ssub.s32 s11, s15;
	v5 =	vld.idx.msk [tilespmem:v5+s16+$0x0], $0xffff  }
0x97: {  	s24 =	sadd.s32 $0x10, s29;
	s15 =	simm.s32 @!p2 $0x1;
	s9 =	sor.u32 s14, s26;
	v6 =	vld.idx.msk [tilespmem:v6+s16+$0x0], $0xffff  }
0x98: {  	v7 =	vld [tilespmem:s9+$0x480];
	[tilespmem:s2], [sflag:$0x1] =	stream.linear.gather @!p3 [hbm4b:s31+s12], $0x1000, $0x38  }
0x99: {  	s3 =	sadd.s32 @!p3 $0x6480, s3;
	s25 =	sshra.s32 s24, $0x1F;
	s26 =	sshll.u32 s10, $0xC  }
0x9a: {  	[tilespmem:s1], [sflag:$0x1] =	stream.linear.gather @!p3 [hbm4b:s7+s12], $0x2000, $0x38;
	[tilespmem:$0xC980] =	vst v63  }
0x9b: {  	s8 =	sadd.s32 @!p3 s4, s8;
	s2 =	ssub.s32 s26, s21;
	s1 =	sshrl.u32 s25, $0x14  }
0x9c: {  	s9 =	sadd.s32 @!p4 $0x1, s11;
	s2 =	sadd.s32 s2, s29;
	s1 =	sadd.s32 s1, s24  }
0x9d: {  	[tilespmem:s3], [sflag:$0x1] =	stream.linear.gather @!p3 [hbm4b:s8+s12], $0x3000, $0x38;
	[tilespmem:$0xC980] =	vst v63  }
0x9e: {  	s10 =	sshll.u32 @!p4 s9, $0xC;
	s26 =	sand.u32 $0xFFFFFF80, s2;
	s25 =	sshra.s32 s1, $0xC  }
0x9f: {  	_ =	swait.ge @!p4 [sflag:s15], $0x1000;
	v7 =	vsub.f32 $0.0e+00, v7;
	p2 =	seq.s32 s25, s11;
	s1 =	sshrl.u32 s25, $0x1F  }
0xa0: {  	[sflag:s15] =	ssyncset.done @!p4 $0x0;
	p1 =	sgt.s32 @!p2 s11, $0xFFFFFFFF;
	s28 =	sadd.s32 s1, s25  }
0xa1: {  	[sflag:s15] =	ssyncadd.s32 @!p4 $0xFFFFF000;
	v6 =	vmul.f32 v6, v7;
	p3 =	por p1, p2;
	p1 =	por $0x1, $0x1  }
0xa2: {  	vm4 =	vmand vm2, vm3;
	_ =	swait.ge @!p4 [sflag:s15], $0x2000;
	s1 =	sshrl.u32 @!p3 s25, $0x1F;
	s3 =	sshll.u32 @!p3 s25, $0x9  }
0xa3: {  	s14 =	smul.u32 @!p3 $0x3000, s25;
	[sflag:s15] =	ssyncset.done @!p4 $0x0;
	v14 =	vnsel vm4, $0x0, v6;
	s1 =	sadd.s32 @!p3 s1, s25  }
.Ltmp7:
0xa4: {  	vm2 =	vmmov vm0;
	vm3 =	vmmov vm1;
	v10 =	vimm.f32 $0.0e+00;
	s3 =	sand.u32 @!p3 $0x1FFFFE00, s3;
	[sflag:s15] =	ssyncadd.s32 @!p4 $0xFFFFE000;
	(xrf2) =	vadd.scan.msk.f32 $0xffff, v14;
	(pc) =	sbr.rel @!p5 .LBB2_9-.Ltmp7, $4  }
0xa5: {  	v11 =	vimm.f32 $0.0e+00;
	v12 =	vimm.f32 $0.0e+00;
	v6 =	vor.u32 s24, v0;
	s1 =	sand.u32 @!p3 $0xFFFFFFFE, s1;
	s31 =	sadd.s32 @!p3 s0, s3;
	_ =	swait.ge @!p4 [sflag:s15], $0x3000  }
0xa6: {  	vm5 =	vge.s32 v6, v8;
	vm6 =	vlt.s32 v6, v9;
	v6 =	vmul.f32 $1.442695020e+00, v14;
	s8 =	ssub.s32 @!p3 s25, s1;
	s1 =	sshll.u32 @!p3 s25, $0xA;
	s11 =	rddreg [dreg:$0x8]  }
0xa7: {  	v13 =	vor.u32 s2, v0;
	v7 =	vimm.f32 $0.0e+00;
	vm0 =	vmmov vm5;
	s2 =	sshll.u32 @!p3 s8, $0xE;
	s3 =	sshll.u32 @!p3 s8, $0xF;
	s7 =	sand.u32 @!p3 $0x1FFFFC00, s1  }
0xa8: {  	vm1 =	vmmov vm6;
	(erf) = vpow2.f32 v6;
	v6 =	vimm.f32 $0.0e+00;
	s2 =	sshra.s32 @!p3 s2, $0x2;
	s1 =	sshra.s32 @!p3 s3, $0x2;
	p6 =	sge.s32 @!p4 s10, s11  }
.LBB2_10:
0xa9: {  	s3 =	smul.u32 @!p3 $0xC000, s8  }
0xaa: {  	[sflag:s15] =	ssyncset.done @!p4 $0x0;
	p5 =	por p6, p4;
	s6 =	sadd.s32 $0xFFFFFFFF, s6  }
0xab: {  	s2 =	sor.u32 @!p3 $0x480, s2;
	s1 =	sadd.s32 @!p3 $0x2480, s1;
	s8 =	sshrl.u32 @!p5 s9, $0x1F  }
0xac: {  	s11 =	smul.u32 @!p5 $0x3000, s9;
	s12 =	sshll.u32 @!p5 s9, $0xA;
	s8 =	sadd.s32 @!p5 s8, s9  }
0xad: {  	s21 =	simm.s32 @!p5 $0x0;
	[sflag:s15] =	ssyncadd.s32 @!p4 $0xFFFFD000;
	s8 =	sand.u32 @!p5 $0xFFFFFFFE, s8  }
0xae: {  	p4 =	por p2, p2;
	s12 =	sand.u32 @!p5 $0x1FFFFC00, s12;
	s8 =	ssub.s32 @!p5 s9, s8  }
0xaf: {  	s12 =	sadd.s32 @!p5 s5, s12;
	s9 =	sshrl.u32 @!p5 s10, $0x3;
	s10 =	sshll.u32 @!p5 s8, $0xE  }
0xb0: {  	s15 =	sshll.u32 @!p5 s8, $0xF;
	s8 =	smul.u32 @!p5 $0xC000, s8;
	v15, _, _ =	vpop (xrf2);
	s10 =	sshra.s32 @!p5 s10, $0x2  }
0xb1: {  	s9 =	sadd.s32 @!p5 s0, s9;
	s15 =	sshra.s32 @!p5 s15, $0x2;
	v16 =	vadd.f32 s30, v15;
	(v2sf) =	vpush v15, $0xF;
	v15 =	vmul.u32 $0x3, v13;
	s10 =	sor.u32 @!p5 $0x480, s10  }
0xb2: {  	v13 =	vshll.u32 v13, $0x1;
	[tilespmem:s10], [sflag:$0x1] =	stream.linear.gather @!p5 [hbm4b:s9+s21], $0x1000, $0x38;
	[tilespmem:$0xC980] =	vst v63  }
0xb3: {  	s11 =	sshrl.u32 @!p5 s11, $0x3;
	s15 =	sadd.s32 @!p5 $0x2480, s15;
	s8 =	sshra.s32 @!p5 s8, $0x2;
	v18 =	vor.u32 $0x1, v13;
	v14 =	vsub.f32 v16, v14  }
0xb4: {  	[tilespmem:s15], [sflag:$0x1] =	stream.linear.gather @!p5 [hbm4b:s12+s21], $0x2000, $0x38;
	[tilespmem:$0xC980] =	vst v63  }
0xb5: {  	s3 =	sshra.s32 @!p3 s3, $0x2;
	s8 =	sadd.s32 @!p5 $0x6480, s8;
	s9 =	sadd.s32 @!p5 s4, s11;
	v14 =	vmul.f32 $1.442695020e+00, v14  }
0xb6: {  	v60 =	vadd.s32 $0x2, v15;
	[tilespmem:s8], [sflag:$0x1] =	stream.linear.gather @!p5 [hbm4b:s9+s21], $0x3000, $0x38;
	[tilespmem:$0xC980] =	vst v63  }
0xb7: {  	s3 =	sadd.s32 @!p3 $0x6480, s3;
	v17 =	vpop (erf);
	s10 =	sadd.s32 @!p3 s5, s7;
	s7 =	sshrl.u32 @!p3 s14, $0x3;
	(erf) = vpow2.f32 v14;
	v14 =	vadd.s32 $0x1, v15;
	v15 =	vld.idx.msk [tilespmem:v15+s17+$0x0], $0xffff  }
0xb8: {  	s14 =	sand.u32 $0x70, s29;
	s29 =	smov.u32 s24;
	s24 =	sadd.s32 $0x10, s24;
	v18 =	vld.idx.msk [tilespmem:v18+s16+$0x0], $0xffff  }
0xb9: {  	s15 =	sor.u32 s14, s26;
	s14 =	simm.s32 @!p3 $0x0;
	s9 =	sand.u32 $0xFFFFFFFE, s28;
	v19 =	vld.idx.msk [tilespmem:v13+s16+$0x0], $0xffff  }
0xba: {  	s8 =	sadd.s32 @!p3 s4, s7;
	s7 =	smov.u32 s25;
	s11 =	ssub.s32 s25, s9;
	v21 =	vld [tilespmem:s15+$0x480]  }
0xbb: {  	p5 =	sne.s32 s6, $0x0;
	s12 =	sshll.u32 s7, $0xC;
	v16 =	vld.idx.msk [tilespmem:v60+s17+$0x0], $0xffff;
	s9 =	sshll.u32 s11, $0xC  }
0xbc: {  	v14 =	vld.idx.msk [tilespmem:v14+s17+$0x0], $0xffff;
	[tilespmem:s2], [sflag:$0x1] =	stream.linear.gather @!p3 [hbm4b:s31+s14], $0x1000, $0x38  }
0xbd: {  	s9 =	ssub.s32 s9, s12;
	s12 =	smov.u32 s25;
	s25 =	sshra.s32 s24, $0x1F  }
0xbe: {  	[tilespmem:s1], [sflag:$0x1] =	stream.linear.gather @!p3 [hbm4b:s10+s14], $0x2000, $0x38;
	[tilespmem:$0xC980] =	vst v63  }
0xbf: {  	v17 =	vsub.f32 $1.000000000e+00, v17;
	s15 =	simm.s32 @!p2 $0x1;
	s9 =	sadd.s32 s9, s29;
	s1 =	sshrl.u32 s25, $0x14  }
0xc0: {  	v13 =	vor.u32 s9, v0;
	s26 =	sand.u32 $0xFFFFFF80, s9;
	s9 =	sadd.s32 @!p4 $0x1, s7;
	s1 =	sadd.s32 s1, s24;
	v22 =	vpop (erf)  }
0xc1: {  	[tilespmem:s3], [sflag:$0x1] =	stream.linear.gather @!p3 [hbm4b:s8+s14], $0x3000, $0x38;
	v17 =	vmul.f32 v22, v17;
	[tilespmem:$0xC980] =	vst v63  }
0xc2: {  	s10 =	sshll.u32 @!p4 s9, $0xC;
	s21 =	spop (v2sf);
	s25 =	sshra.s32 s1, $0xC  }
0xc3: {  	s30 =	sadd.f32 s21, s30;
	_ =	swait.ge @!p4 [sflag:s15], $0x1000;
	p2 =	seq.s32 s25, s12;
	v17 =	vnsel vm4, $0x0, v17  }
0xc4: {  	s1 =	sshrl.u32 s25, $0x1F;
	[sflag:s15] =	ssyncset.done @!p4 $0x0;
	p3 =	sgt.s32 @!p2 s12, $0xFFFFFFFF;
	v62 =	vmul.f32 v17, v3;
	v3 =	vmov v15;
	v15 =	vsub.f32 $0.0e+00, v21  }
0xc5: {  	s28 =	sadd.s32 s1, s25;
	[sflag:s15] =	ssyncadd.s32 @!p4 $0xFFFFF000;
	p3 =	por p3, p2  }
0xc6: {  	v20 =	vor.u32 s24, v0;
	v63 =	vmul.f32 v17, v4;
	v4 =	vmovc v14;
	_ =	swait.ge @!p4 [sflag:s15], $0x2000;
	s1 =	sshrl.u32 @!p3 s25, $0x1F;
	s2 =	sshll.u32 @!p3 s25, $0x9;
	v14 =	vmul.f32 v19, v15  }
0xc7: {  	vm6 =	vge.s32 v20, v8;
	vm4 =	vmand vm2, vm3;
	s14 =	smul.u32 @!p3 $0x3000, s25;
	[sflag:s15] =	ssyncset.done @!p4 $0x0;
	s1 =	sadd.s32 @!p3 s1, s25  }
.Ltmp8:
0xc8: {  	vm5 =	vlt.s32 v20, v9;
	vm2 =	vmmov vm0;
	s2 =	sand.u32 @!p3 $0x1FFFFE00, s2;
	s1 =	sand.u32 @!p3 $0xFFFFFFFE, s1;
	v14 =	vnsel vm4, $0x0, v14;
	(pc) =	sbr.rel @p5 .LBB2_10-.Ltmp8, $4  }
0xc9: {  	vm0 =	vmmov vm6;
	vm3 =	vmmov vm1;
	v61 =	vmul.f32 v17, v5;
	[sflag:s15] =	ssyncadd.s32 @!p4 $0xFFFFE000;
	s31 =	sadd.s32 @!p3 s0, s2;
	s8 =	ssub.s32 @!p3 s25, s1;
	(xrf2) =	vadd.scan.msk.f32 $0xffff, v14  }
0xca: {  	v7 =	vadd.f32 v17, v7;
	v17 =	vmul.f32 v17, v2;
	s1 =	sshll.u32 @!p3 s25, $0xA;
	s2 =	sshll.u32 @!p3 s8, $0xE;
	v15 =	vmul.f32 $1.442695020e+00, v14;
	_ =	swait.ge @!p4 [sflag:s15], $0x3000  }
0xcb: {  	vm1 =	vmmov vm5;
	v6 =	vadd.f32 v61, v6;
	v10 =	vadd.f32 v62, v10;
	s11 =	sshll.u32 @!p3 s8, $0xF;
	s7 =	sand.u32 @!p3 $0x1FFFFC00, s1;
	s3 =	rddreg [dreg:$0x8]  }
0xcc: {  	v2 =	vmovc v16;
	v5 =	vmovc v18;
	v11 =	vadd.f32 v63, v11;
	v12 =	vadd.f32 v17, v12;
	s2 =	sshra.s32 @!p3 s2, $0x2;
	s1 =	sshra.s32 @!p3 s11, $0x2;
	(erf) = vpow2.f32 v15;
	p6 =	sge.s32 @!p4 s10, s3  }
0xcd: {  	s6 =	smov.u32 s29  }
.LBB2_12:
0xce: {  	p5 =	por @p0 p6, p4  }
0xcf: {  	p5 =	por p5, !p0  }
0xd0: {  	p4 =	por p4, !p0;
	s3 =	sshrl.u32 @!p5 s9, $0x1F  }
0xd1: {  	[sflag:s15] =	ssyncset.done @!p4 $0x0;
	s11 =	sshll.u32 @!p5 s9, $0xA;
	s3 =	sadd.s32 @!p5 s3, s9  }
0xd2: {  	s12 =	smul.u32 @!p5 $0x3000, s9;
	s21 =	simm.s32 @!p5 $0x0;
	s3 =	sand.u32 @!p5 $0xFFFFFFFE, s3  }
0xd3: {  	[sflag:s15] =	ssyncadd.s32 @!p4 $0xFFFFD000;
	s11 =	sand.u32 @!p5 $0x1FFFFC00, s11;
	s3 =	ssub.s32 @!p5 s9, s3  }
0xd4: {  	s11 =	sadd.s32 @!p5 s5, s11;
	s9 =	sshrl.u32 @!p5 s10, $0x3;
	s10 =	sshll.u32 @!p5 s3, $0xE  }
0xd5: {  	v9 =	vmul.u32 @p0 $0x3, v13;
	s15 =	sshll.u32 @!p5 s3, $0xF;
	s3 =	smul.u32 @!p5 $0xC000, s3;
	s10 =	sshra.s32 @!p5 s10, $0x2  }
0xd6: {  	v8, _, _ =	vpop @p1 (xrf2);
	s9 =	sadd.s32 @!p5 s0, s9;
	s15 =	sshra.s32 @!p5 s15, $0x2;
	s10 =	sor.u32 @!p5 $0x480, s10  }
0xd7: {  	v15 =	vadd.s32 @p0 $0x2, v9;
	(v2sf) =	vpush @p1 v8, $0xF;
	v8 =	vadd.f32 @p1 s30, v8;
	[tilespmem:s10], [sflag:$0x1] =	stream.linear.gather @!p5 [hbm4b:s9+s21], $0x1000, $0x38;
	[tilespmem:$0xC980] =	vst v63  }
0xd8: {  	s3 =	sshra.s32 @!p5 s3, $0x2;
	s9 =	sshrl.u32 @!p5 s12, $0x3;
	s10 =	sadd.s32 @!p5 $0x2480, s15  }
0xd9: {  	v8 =	vsub.f32 @p1 v8, v14;
	v14 =	vshll.u32 @p0 v13, $0x1;
	v13 =	vadd.s32 @p0 $0x1, v9;
	[tilespmem:s10], [sflag:$0x1] =	stream.linear.gather @!p5 [hbm4b:s11+s21], $0x2000, $0x38;
	[tilespmem:$0xC980] =	vst v63  }
0xda: {  	s3 =	sadd.s32 @!p5 $0x6480, s3;
	v16 =	vor.u32 @p0 $0x1, v14;
	s9 =	sadd.s32 @!p5 s4, s9  }
0xdb: {  	v17 =	vmul.f32 @p1 $1.442695020e+00, v8;
	[tilespmem:s3], [sflag:$0x1] =	stream.linear.gather @!p5 [hbm4b:s9+s21], $0x3000, $0x38;
	[tilespmem:$0xC980] =	vst v63  }
0xdc: {  	v8 =	vld.idx.msk @p0 [tilespmem:v15+s17+$0x0], $0xffff  }
0xdd: {  	(erf) = vpow2.f32 @p1 v17;
	v9 =	vld.idx.msk @p0 [tilespmem:v9+s17+$0x0], $0xffff  }
0xde: {  	v13 =	vld.idx.msk @p0 [tilespmem:v13+s17+$0x0], $0xffff  }
0xdf: {  	s6 =	sand.u32 @p0 $0x70, s6;
	s7 =	sadd.s32 @!p3 s5, s7;
	s2 =	sor.u32 @!p3 $0x480, s2;
	v15 =	vld.idx.msk @p0 [tilespmem:v16+s16+$0x0], $0xffff  }
0xe0: {  	s6 =	sor.u32 @p0 s6, s26;
	s3 =	smul.u32 @!p3 $0xC000, s8;
	s9 =	simm.s32 @!p3 $0x0;
	v14 =	vld.idx.msk @p0 [tilespmem:v14+s16+$0x0], $0xffff  }
0xe1: {  	v16 =	vld @p0 [tilespmem:s6+$0x480];
	[tilespmem:s2], [sflag:$0x1] =	stream.linear.gather @!p3 [hbm4b:s31+s9], $0x1000, $0x38;
	[tilespmem:$0xC980] =	vst v63  }
0xe2: {  	s1 =	sadd.s32 @!p3 $0x2480, s1;
	s8 =	sshrl.u32 @!p3 s14, $0x3;
	s3 =	sshra.s32 @!p3 s3, $0x2  }
0xe3: {  	[tilespmem:s1], [sflag:$0x1] =	stream.linear.gather @!p3 [hbm4b:s7+s9], $0x2000, $0x38;
	[tilespmem:$0xC980] =	vst v63  }
0xe4: {  	s2 =	sadd.s32 @!p3 $0x6480, s3;
	s3 =	sadd.s32 @!p3 s4, s8  }
0xe5: {  	v17 =	vpop @p1 (erf);
	[tilespmem:s2], [sflag:$0x1] =	stream.linear.gather @!p3 [hbm4b:s3+s9], $0x3000, $0x38;
	[tilespmem:$0xC980] =	vst v63  }
0xe6: {  	s6 =	simm.s32 @!p2 $0x1;
	p2 =	por p2, p2;
	s1 =	spop @p1 (v2sf);
	v18 =	vpop @p1 (erf)  }
0xe7: {  	v16 =	vsub.f32 @p0 $0.0e+00, v16;
	_ =	swait.ge @!p2 [sflag:s6], $0x1000  }
0xe8: {  	[sflag:s6] =	ssyncset.done @!p2 $0x0  }
0xe9: {  	v14 =	vmul.f32 @p0 v14, v16;
	[sflag:s6] =	ssyncadd.s32 @!p2 $0xFFFFF000  }
0xea: {  	vm2 =	vmand @p0 vm2, vm3;
	_ =	swait.ge @!p2 [sflag:s6], $0x2000  }
0xeb: {  	v14 =	vnsel @p0 vm2, $0x0, v14;
	[sflag:s6] =	ssyncset.done @!p2 $0x0  }
0xec: {  	(xrf2) =	vadd.scan.msk.f32 @p0 $0xffff, v14;
	[sflag:s6] =	ssyncadd.s32 @!p2 $0xFFFFE000  }
0xed: {  	s21 =	sand.u32 $0xFFFFFFFE, s28;
	s7 =	sadd.s32 @!p2 $0x1, s25;
	_ =	swait.ge @!p2 [sflag:s6], $0x3000  }
0xee: {  	s8 =	sshll.u32 @!p2 s7, $0xC;
	s3 =	ssub.s32 s25, s21;
	s2 =	rddreg [dreg:$0x8]  }
0xef: {  	s26 =	sshll.u32 s25, $0xC;
	s3 =	sshll.u32 s3, $0xC;
	p3 =	sge.s32 @!p2 s8, s2  }
0xf0: {  	s29 =	sand.u32 $0x70, s24;
	s28 =	ssub.s32 s3, s26;
	p3 =	por p3, p2  }
0xf1: {  	[sflag:s6] =	ssyncset.done @!p2 $0x0;
	s2 =	sadd.s32 s28, s24;
	s3 =	sshrl.u32 @!p3 s7, $0x1F  }
0xf2: {  	[sflag:s6] =	ssyncadd.s32 @!p2 $0xFFFFD000;
	v52 =	vor.u32 s2, v0;
	s2 =	sand.u32 $0xFFFFFF80, s2;
	s3 =	sadd.s32 @!p3 s3, s7  }
0xf3: {  	s9 =	sshll.u32 @!p3 s7, $0xA;
	s10 =	smul.u32 @!p3 $0x3000, s7;
	s3 =	sand.u32 @!p3 $0xFFFFFFFE, s3  }
0xf4: {  	s11 =	simm.s32 @!p3 $0x0;
	s6 =	sshrl.u32 @!p3 s8, $0x3;
	s3 =	ssub.s32 @!p3 s7, s3  }
0xf5: {  	s9 =	sand.u32 @!p3 $0x1FFFFC00, s9;
	s6 =	sadd.s32 @!p3 s0, s6;
	s7 =	sshll.u32 @!p3 s3, $0xE  }
0xf6: {  	s9 =	sadd.s32 @!p3 s5, s9;
	s8 =	sshll.u32 @!p3 s3, $0xF;
	s7 =	sshra.s32 @!p3 s7, $0x2  }
0xf7: {  	s3 =	smul.u32 @!p3 $0xC000, s3;
	s8 =	sshra.s32 @!p3 s8, $0x2;
	s7 =	sor.u32 @!p3 $0x480, s7  }
0xf8: {  	[tilespmem:s7], [sflag:$0x1] =	stream.linear.gather @!p3 [hbm4b:s6+s11], $0x1000, $0x38;
	[tilespmem:$0xC980] =	vst v63  }
0xf9: {  	s3 =	sshra.s32 @!p3 s3, $0x2;
	s6 =	sshrl.u32 @!p3 s10, $0x3;
	s7 =	sadd.s32 @!p3 $0x2480, s8  }
0xfa: {  	v19 =	vshll.u32 v52, $0x1;
	[tilespmem:s7], [sflag:$0x1] =	stream.linear.gather @!p3 [hbm4b:s9+s11], $0x2000, $0x38;
	[tilespmem:$0xC980] =	vst v63  }
0xfb: {  	s2 =	sor.u32 s29, s2;
	s3 =	sadd.s32 @!p3 $0x6480, s3;
	s6 =	sadd.s32 @!p3 s4, s6  }
0xfc: {  	[tilespmem:s3], [sflag:$0x1] =	stream.linear.gather @!p3 [hbm4b:s6+s11], $0x3000, $0x38;
	[tilespmem:$0xC980] =	vst v63  }
0xfd: {  	v20 =	vld [tilespmem:s2+$0x480]  }
0xfe: {  	v21, _, _ =	vpop @p0 (xrf2)  }
0xff: {  	(v2sf) =	vpush @p0 v21, $0xF;
	v22 =	vld.idx.msk [tilespmem:v19+s16+$0x0], $0xffff;
	_ =	sdelay $0x2  }
0x100: {  	v20 =	vsub.f32 $0.0e+00, v20;
	_ =	sdelay $0x1  }
0x101: {  	vm0 =	vmmov vm0;
	vm1 =	vmmov vm1;
	v20 =	vmul.f32 v22, v20  }
0x102: {  	vm0 =	vmand vm0, vm1  }
0x103: {  	v20 =	vnsel vm0, $0x0, v20  }
0x104: {  	(xrf2) =	vadd.scan.msk.f32 $0xffff, v20;
	_ =	sdelay $0x2  }
0x105: {  	s1 =	sadd.f32 @p1 s1, s30  }
0x106: {  	s2 =	simm.f32 $0.0e+00  }
0x107: {  	s2 =	smov.u32 @p1 s1  }
0x108: {  	v21 =	vadd.f32 @p0 s2, v21  }
0x109: {  	v22 =	vpsel p0, v14, v0;
	s1 =	spop @p0 (v2sf)  }
0x10a: {  	v14 =	vmul.f32 @p0 $1.442695020e+00, v14;
	v21 =	vsub.f32 @p0 v21, v22;
	s1 =	sadd.f32 @p0 s1, s2;
	_ =	sdelay $0x1  }
0x10b: {  	(erf) = vpow2.f32 @p0 v14;
	v21 =	vmul.f32 @p0 $1.442695020e+00, v21;
	s23 =	smov.u32 @p0 s1;
	v53, _, _ =	vpop (xrf2)  }
0x10c: {  	v54 =	vadd.f32 s23, v53  }
0x10d: {  	v14 =	vsub.f32 @p1 $1.000000000e+00, v17;
	(erf) = vpow2.f32 @p0 v21  }
0x10e: {  	v55 =	vmul.f32 $1.442695020e+00, v20;
	v20 =	vsub.f32 v54, v20  }
0x10f: {  	vm1 =	vmmov @p0 vm2;
	v14 =	vmul.f32 @p1 v18, v14  }
0x110: {  	v9 =	vpsel p0, v9, v0;
	(erf) = vpow2.f32 v55;
	v56 =	vmul.f32 $1.442695020e+00, v20  }
0x111: {  	v13 =	vpsel p0, v13, v0;
	v16 =	vmul.u32 $0x3, v52;
	v14 =	vnsel @p1 vm4, $0x0, v14  }
0x112: {  	v8 =	vpsel p0, v8, v0;
	v5 =	vmul.f32 @p1 v14, v5;
	(erf) = vpow2.f32 v56  }
0x113: {  	v58 =	vor.u32 $0x1, v19;
	v57 =	vadd.s32 $0x2, v16;
	(v2sf) =	vpush v53, $0xF  }
0x114: {  	v3 =	vmul.f32 @p1 v14, v3;
	v4 =	vmul.f32 @p1 v14, v4;
	v5 =	vadd.f32 @p1 v5, v6;
	v6 =	vpop @p0 (erf)  }
0x115: {  	v7 =	vadd.f32 @p1 v14, v7;
	v2 =	vmul.f32 @p1 v14, v2;
	v6 =	vsub.f32 @p0 $1.000000000e+00, v6  }
0x116: {  	v59 =	vadd.s32 $0x1, v16;
	v3 =	vadd.f32 @p1 v3, v10;
	v4 =	vadd.f32 @p1 v4, v11;
	v14 =	vpop @p0 (erf)  }
0x117: {  	v2 =	vadd.f32 @p1 v2, v12;
	v11 =	vmovc @p0 v15;
	v7 =	vpsel p1, v7, v1;
	v6 =	vmul.f32 @p0 v14, v6  }
0x118: {  	v16 =	vld.idx.msk [tilespmem:v16+s17+$0x0], $0xffff;
	v11 =	vpsel p0, v11, v0;
	v5 =	vpsel p1, v5, v1;
	v3 =	vpsel p1, v3, v1  }
0x119: {  	v10 =	vld.idx.msk [tilespmem:v57+s17+$0x0], $0xffff;
	v4 =	vpsel p1, v4, v1;
	v2 =	vpsel p1, v2, v1;
	v60 =	vpop (erf);
	v6 =	vnsel @p0 vm1, $0x0, v6  }
0x11a: {  	v12 =	vld.idx.msk [tilespmem:v58+s16+$0x0], $0xffff;
	v14 =	vsub.f32 $1.000000000e+00, v60;
	v11 =	vmul.f32 @p0 v6, v11;
	v9 =	vmul.f32 @p0 v6, v9  }
0x11b: {  	v15 =	vld.idx.msk [tilespmem:v59+s17+$0x0], $0xffff;
	v7 =	vadd.f32 @p0 v6, v7;
	v13 =	vmul.f32 @p0 v6, v13;
	v6 =	vmul.f32 @p0 v6, v8;
	v61 =	vpop (erf)  }
0x11c: {  	v5 =	vadd.f32 @p0 v11, v5;
	v3 =	vadd.f32 @p0 v9, v3;
	v8 =	vmul.f32 v61, v14  }
0x11d: {  	v4 =	vadd.f32 @p0 v13, v4;
	v6 =	vadd.f32 @p0 v6, v2;
	v2 =	vpsel p0, v7, v1  }
.Ltmp9:
0x11e: {  	v5 =	vpsel p0, v5, v1;
	v3 =	vpsel p0, v3, v1;
	v7 =	vnsel vm0, $0x0, v8;
	(pc) =	sbr.rel .LBB2_13-.Ltmp9, $4  }
0x11f: {  	v4 =	vpsel p0, v4, v1;
	v8 =	vmul.f32 v7, v12;
	v62 =	vmul.f32 v7, v16  }
0x120: {  	v2 =	vadd.f32 v7, v2;
	v63 =	vmul.f32 v7, v15;
	v7 =	vmul.f32 v7, v10  }
0x121: {  	v6 =	vpsel p0, v6, v1;
	v1 =	vadd.f32 v8, v5;
	v3 =	vadd.f32 v62, v3  }
0x122: {  	s1 =	smov.u32 s25;
	s31 =	spop (v2sf);
	v4 =	vadd.f32 v63, v4;
	v5 =	vadd.f32 v7, v6  }
.LBB2_5:
.Ltmp10:
0x123: {  	(pc) =	sbr.rel .LBB2_12-.Ltmp10, $3  }
0x124: {  	_ =	sdelay $0x1  }
0x125: {  	v7 =	vimm.f32 $0.0e+00;
	v6 =	vimm.f32 $0.0e+00  }
0x126: {  	s30 =	simm.f32 $0.0e+00;
	v10 =	vimm.f32 $0.0e+00;
	v11 =	vimm.f32 $0.0e+00;
	v12 =	vimm.f32 $0.0e+00  }
.LBB2_7:
.Ltmp11:
0x127: {  	(pc) =	sbr.rel .LBB2_12-.Ltmp11, $3  }
0x128: {  	_ =	sdelay $0x1  }
0x129: {  	s6 =	smov.u32 s24;
	v7 =	vimm.f32 $0.0e+00;
	v6 =	vimm.f32 $0.0e+00  }
0x12a: {  	s30 =	simm.f32 $0.0e+00;
	s25 =	smov.u32 s11;
	s24 =	smov.u32 s29;
	v10 =	vimm.f32 $0.0e+00;
	v11 =	vimm.f32 $0.0e+00;
	v12 =	vimm.f32 $0.0e+00  }
.LBB2_9:
.Ltmp12:
0x12b: {  	(pc) =	sbr.rel .LBB2_12-.Ltmp12, $3  }
0x12c: {  	_ =	sdelay $0x1  }
0x12d: {  	v7 =	vimm.f32 $0.0e+00;
	v6 =	vimm.f32 $0.0e+00  }
0x12e: {  	s30 =	simm.f32 $0.0e+00;
	s6 =	smov.u32 s29;
	v10 =	vimm.f32 $0.0e+00;
	v11 =	vimm.f32 $0.0e+00;
	v12 =	vimm.f32 $0.0e+00  }
.LBB2_15:
0x12f: {  	_ =	sfence.sel $0x180000  }
0x130: {  	[bflag:$0x0] =	sbarrier.arrive $0xFFFF  }
0x131: {  	_ =	strace $0x90000047  }
0x132: {  	s0 =	stileid.u32;
	[bflag:$0x2] =	sbarrier.arrive $0xFFFF  }
0x133: {  	p0 =	sne.s32 s0, $0x0;
	s0 =	rddreg [dreg:$0x7]  }
0x134: {  	s0 =	sadd.s32 @!p0 $0x100000, s0  }
0x135: {  	[sflag:s0] =	ssyncadd.tile.s32 @!p0 $0x1;
	_ =	shalt  }
.Lfunc_end2:
_tile_overlayer_lowered:
.L_overlay_start_2:
0x136: {  	(tag) =	ssettag $0x2  }
0x137: {  	s0 =	rddreg [dreg:$0x0];
	s2 =	stileid.u32  }
0x138: {  	s1 =	rddreg [dreg:$0x1];
	p0 =	sne.s32 s2, $0x0  }
0x139: {  	s3 =	rddreg [dreg:$0x2];
	[bflag:$0x3] =	sbarrier.arrive $0xFFFF;
	s2 =	simm.s32 @!p0 $0x1C02  }
0x13a: {  	[timem:s3], [sflag:s2] =	dma.local @!p0 [hbm:s0], s1  }
0x13b: {  	s0 =	simm.s32 @!p0 $0x2  }
0x13c: {  	_ =	swait.ge @!p0 [sflag:s0], s1  }
0x13d: {  	s1 =	ssub.s32 @!p0 $0x0, s1;
	[sflag:s0] =	ssyncset.done @!p0 $0x0  }
0x13e: {  	[sflag:s0] =	ssyncadd.s32 @!p0 s1  }
0x13f: {  	[bflag:$0x3] =	sbarrier.arrive $0xFFFF  }
0x140: {  	_ =	shalt  }

</sc_bundles>
